<compile_context>
chip_gen: v7x
topology: tpu7x:2x2x1
jax: 0.10.2.dev20260603
libtpu: 0.0.44.dev20260713+nightly
codegen_flags: <defaults>
</compile_context>

<pallas_src>
import jax
import jax.numpy as jnp
from jax import lax
from jax.experimental import pallas as pl
from jax.experimental.pallas import tpu as pltpu
from jax.experimental.pallas import tpu_sc as plsc

B = 4
N = 4096
D = 2048
L = 16

NC = 2
NS = 16
NW = NC * NS

SC_ROWS = 1536
TC_ROWS = N - SC_ROWS
SC_ROW0 = TC_ROWS

C = 128
NBLK = D // C
R = 256
NCHUNK = SC_ROWS // R
G = C // L

RB = 512
NRB = TC_ROWS // RB


def _sc_body(x_hbm, outv_hbm, outi_hbm, buf0, buf1, vstage, istage,
             sem0, sem1):
    wid = lax.axis_index("s") * NC + lax.axis_index("c")

    bufs = (buf0, buf1)
    sems = (sem0, sem1)

    blk = wid % NBLK
    c0 = blk * C
    ones = jnp.ones((L,), jnp.int32)

    for t in range(2):
        b = wid // NBLK + 2 * t
        row_base = b * N + SC_ROW0

        def start(chunk, k):
            pltpu.async_copy(
                x_hbm.at[pl.ds(row_base + chunk * R, R), pl.ds(c0, C)],
                bufs[k], sems[k])

        def wait(k):
            pltpu.make_async_copy(
                x_hbm.at[pl.ds(row_base, R), pl.ds(c0, C)],
                bufs[k], sems[k]).wait()

        def rows(buf, carry):
            def row_body(r, carry):
                mvs, mis, ridx = carry
                mvs = list(mvs)
                mis = list(mis)
                for g in range(G):
                    xv = buf[r, pl.ds(g * L, L)]
                    m = xv < mvs[g]
                    mvs[g] = jnp.where(m, xv, mvs[g])
                    mis[g] = jnp.where(m, ridx, mis[g])
                return tuple(mvs), tuple(mis), ridx + ones

            return lax.fori_loop(0, R, row_body, carry)

        carry = (
            tuple(jnp.full((L,), jnp.inf, jnp.float32) for _ in range(G)),
            tuple(jnp.zeros((L,), jnp.int32) for _ in range(G)),
            jnp.full((L,), SC_ROW0, jnp.int32),
        )

        start(0, 0)
        for i in range(NCHUNK):
            if i + 1 < NCHUNK:
                start(i + 1, (i + 1) % 2)
            wait(i % 2)
            carry = rows(bufs[i % 2], carry)

        minvs, minis, _ = carry
        for g in range(G):
            vstage[pl.ds(g * L, L)] = minvs[g]
            istage[pl.ds(g * L, L)] = minis[g]
        obase = b * D + c0
        pltpu.sync_copy(vstage, outv_hbm.at[pl.ds(obase, C)])
        pltpu.sync_copy(istage, outi_hbm.at[pl.ds(obase, C)])


def _tc_body(x_ref, ov_ref, oi_ref, mv_s, mi_s):
    r = pl.program_id(1)
    v = x_ref[0]
    m = jnp.min(v, axis=0)
    iota = lax.broadcasted_iota(jnp.int32, (RB, D), 0) + r * RB
    idx = jnp.min(jnp.where(v == m[None, :], iota, jnp.int32(N)), axis=0)

    @pl.when(r == 0)
    def _():
        mv_s[0] = m
        mi_s[0] = idx

    @pl.when(r > 0)
    def _():
        prev = mv_s[0]
        upd = m < prev
        mv_s[0] = jnp.where(upd, m, prev)
        mi_s[0] = jnp.where(upd, idx, mi_s[0])

    @pl.when(r == NRB - 1)
    def _():
        ov_ref[...] = mv_s[0]
        oi_ref[...] = mi_s[0]


@jax.jit
def kernel(x):
    x2 = x.reshape(B * N, D)

    tc_v, tc_i = pl.pallas_call(
        _tc_body,
        grid=(B, NRB),
        in_specs=[pl.BlockSpec((1, RB, D), lambda b, r: (b, r, 0))],
        out_specs=[
            pl.BlockSpec((D,), lambda b, r: (b,)),
            pl.BlockSpec((D,), lambda b, r: (b,)),
        ],
        out_shape=[
            jax.ShapeDtypeStruct((B * D,), jnp.float32),
            jax.ShapeDtypeStruct((B * D,), jnp.int32),
        ],
        scratch_shapes=[
            pltpu.VMEM((1, D), jnp.float32),
            pltpu.VMEM((1, D), jnp.int32),
        ],
    )(x)

    mesh = plsc.VectorSubcoreMesh(core_axis_name="c", subcore_axis_name="s")
    sc_v, sc_i = pl.kernel(
        _sc_body,
        out_type=(
            jax.ShapeDtypeStruct((B * D,), jnp.float32),
            jax.ShapeDtypeStruct((B * D,), jnp.int32),
        ),
        mesh=mesh,
        scratch_types=[
            pltpu.VMEM((R, C), jnp.float32),
            pltpu.VMEM((R, C), jnp.float32),
            pltpu.VMEM((C,), jnp.float32),
            pltpu.VMEM((C,), jnp.int32),
            pltpu.SemaphoreType.DMA,
            pltpu.SemaphoreType.DMA,
        ],
    )(x2)

    out = jnp.where(tc_v <= sc_v, tc_i, sc_i)
    return out.astype(jnp.int64).reshape(B, D)

# --- scband reference (transcript-rebuilt; emitter-appended) ---
"""Pipeline reference for scband-model-new-73315091744860 (READ-ONLY COPY).

The authoritative reference and input builder live on the scoring server;
editing this copy changes nothing except your own understanding.
"""

import jax, jax.numpy as jnp
import numpy as np

def setup_inputs(seed: int = 0) -> dict:
    key = jax.random.key(seed)
    x = jax.random.normal(key, (4, 4096, 2048), dtype=jnp.float32)
    return {"x": x}

def reference(x):
    # Faithful translation of the CUDA argmin kernel: argmin over dim=1
    # of a [batch, dim1, dim2] tensor, returning int64 indices [batch, dim2].
    return jnp.argmin(x, axis=1).astype(jnp.int64)

if __name__ == "__main__":
    import jax
    _d = setup_inputs()
    print(jax.jit(kernel)(*tuple(_d.values())))

</pallas_src>

<mosaic_0001>
#map = affine_map<(d0, d1) -> (0, 0)>
#map1 = affine_map<(d0, d1) -> (0)>
module attributes {stable_mosaic.version = 14 : i64} {
  func.func @_sc_body(%arg0: i32, %arg1: i32, %arg2: memref<16384x2048xf32, #tpu.memory_space<hbm>>, %arg3: memref<8192xf32, #tpu.memory_space<hbm>>, %arg4: memref<8192xi32, #tpu.memory_space<hbm>>, %arg5: memref<256x128xf32, #tpu.memory_space<vmem>>, %arg6: memref<256x128xf32, #tpu.memory_space<vmem>>, %arg7: memref<128xf32, #tpu.memory_space<vmem>>, %arg8: memref<128xi32, #tpu.memory_space<vmem>>, %arg9: memref<!tpu.dma_semaphore, #tpu.memory_space<semaphore_mem>>, %arg10: memref<!tpu.dma_semaphore, #tpu.memory_space<semaphore_mem>>) attributes {dimension_semantics = [#tpu.dimension_semantics<core_parallel>, #tpu.dimension_semantics<subcore_parallel>], iteration_bounds = array<i64: 2, 16>, scalar_prefetch = 0 : i64, scratch_operands = 6 : i64, tpu.core_type = #tpu.core_type<sc_vector_subcore>, window_params = [{transform_indices = #map}, {transform_indices = #map1}, {transform_indices = #map1}]} {
    %mul3A = arith.constant 2 : i32
    %mul3A_0 = arith.muli %arg1, %mul3A : i32
    %add3A = arith.addi %mul3A_0, %arg0 : i32
    %jit3A = arith.constant 16 : i32
    %eq3A = arith.constant 0 : i32
    %eq3A_1 = arith.cmpi eq, %jit3A, %eq3A : i32
    %jit3A_2 = arith.constant 1 : i32
    %select_n3A = arith.select %eq3A_1, %jit3A_2, %jit3A : i32
    %rem3A = arith.remsi %add3A, %select_n3A : i32
    %ne3A = arith.constant 0 : i32
    %ne3A_3 = arith.cmpi ne, %rem3A, %ne3A : i32
    %lt3A = arith.constant 0 : i32
    %lt3A_4 = arith.cmpi slt, %rem3A, %lt3A : i32
    %lt3A_5 = arith.constant 0 : i32
    %lt3A_6 = arith.cmpi slt, %select_n3A, %lt3A_5 : i32
    %ne3A_7 = arith.xori %lt3A_4, %lt3A_6 : i1
    %and3A = arith.andi %ne3A_7, %ne3A_3 : i1
    %add3A_8 = arith.addi %rem3A, %select_n3A : i32
    %select_n3A_9 = arith.select %and3A, %add3A_8, %rem3A : i32
    %mul3A_10 = arith.constant 128 : i32
    %mul3A_11 = arith.muli %select_n3A_9, %mul3A_10 : i32
    %broadcast_in_dim3A = arith.constant 1 : i32
    %broadcast_in_dim3A_12 = vector.broadcast %broadcast_in_dim3A : i32 to vector<16xi32>
    %jit3A_13 = arith.constant 16 : i32
    %div3A = arith.divsi %add3A, %jit3A_13 : i32
    %sign3A = arith.constant 0 : i32
    %sign3A_14 = arith.cmpi sgt, %add3A, %sign3A : i32
    %sign3A_15 = arith.extui %sign3A_14 : i1 to i32
    %sign3A_16 = arith.constant 0 : i32
    %sign3A_17 = arith.cmpi slt, %add3A, %sign3A_16 : i32
    %sign3A_18 = arith.extui %sign3A_17 : i1 to i32
    %sign3A_19 = arith.subi %sign3A_15, %sign3A_18 : i32
    %sign3A_20 = arith.constant 0 : i32
    %sign3A_21 = arith.cmpi sgt, %jit3A_13, %sign3A_20 : i32
    %sign3A_22 = arith.extui %sign3A_21 : i1 to i32
    %sign3A_23 = arith.constant 0 : i32
    %sign3A_24 = arith.cmpi slt, %jit3A_13, %sign3A_23 : i32
    %sign3A_25 = arith.extui %sign3A_24 : i1 to i32
    %sign3A_26 = arith.subi %sign3A_22, %sign3A_25 : i32
    %ne3A_27 = arith.cmpi ne, %sign3A_19, %sign3A_26 : i32
    %rem3A_28 = arith.remsi %add3A, %jit3A_13 : i32
    %ne3A_29 = arith.constant 0 : i32
    %ne3A_30 = arith.cmpi ne, %rem3A_28, %ne3A_29 : i32
    %and3A_31 = arith.andi %ne3A_27, %ne3A_30 : i1
    %sub3A = arith.constant 1 : i32
    %sub3A_32 = arith.subi %div3A, %sub3A : i32
    %select_n3A_33 = arith.select %and3A_31, %sub3A_32, %div3A : i32
    %add3A_34 = arith.constant 0 : i32
    %add3A_35 = arith.addi %select_n3A_33, %add3A_34 : i32
    %mul3A_36 = arith.constant 4096 : i32
    %mul3A_37 = arith.muli %add3A_35, %mul3A_36 : i32
    %add3A_38 = arith.constant 2560 : i32
    %add3A_39 = arith.addi %mul3A_37, %add3A_38 : i32
    %broadcast_in_dim3A_40 = arith.constant 0x7F800000 : f32
    %broadcast_in_dim3A_41 = vector.broadcast %broadcast_in_dim3A_40 : f32 to vector<16xf32>
    %broadcast_in_dim3A_42 = arith.constant 0x7F800000 : f32
    %broadcast_in_dim3A_43 = vector.broadcast %broadcast_in_dim3A_42 : f32 to vector<16xf32>
    %broadcast_in_dim3A_44 = arith.constant 0x7F800000 : f32
    %broadcast_in_dim3A_45 = vector.broadcast %broadcast_in_dim3A_44 : f32 to vector<16xf32>
    %broadcast_in_dim3A_46 = arith.constant 0x7F800000 : f32
    %broadcast_in_dim3A_47 = vector.broadcast %broadcast_in_dim3A_46 : f32 to vector<16xf32>
    %broadcast_in_dim3A_48 = arith.constant 0x7F800000 : f32
    %broadcast_in_dim3A_49 = vector.broadcast %broadcast_in_dim3A_48 : f32 to vector<16xf32>
    %broadcast_in_dim3A_50 = arith.constant 0x7F800000 : f32
    %broadcast_in_dim3A_51 = vector.broadcast %broadcast_in_dim3A_50 : f32 to vector<16xf32>
    %broadcast_in_dim3A_52 = arith.constant 0x7F800000 : f32
    %broadcast_in_dim3A_53 = vector.broadcast %broadcast_in_dim3A_52 : f32 to vector<16xf32>
    %broadcast_in_dim3A_54 = arith.constant 0x7F800000 : f32
    %broadcast_in_dim3A_55 = vector.broadcast %broadcast_in_dim3A_54 : f32 to vector<16xf32>
    %broadcast_in_dim3A_56 = arith.constant 0 : i32
    %broadcast_in_dim3A_57 = vector.broadcast %broadcast_in_dim3A_56 : i32 to vector<16xi32>
    %broadcast_in_dim3A_58 = arith.constant 0 : i32
    %broadcast_in_dim3A_59 = vector.broadcast %broadcast_in_dim3A_58 : i32 to vector<16xi32>
    %broadcast_in_dim3A_60 = arith.constant 0 : i32
    %broadcast_in_dim3A_61 = vector.broadcast %broadcast_in_dim3A_60 : i32 to vector<16xi32>
    %broadcast_in_dim3A_62 = arith.constant 0 : i32
    %broadcast_in_dim3A_63 = vector.broadcast %broadcast_in_dim3A_62 : i32 to vector<16xi32>
    %broadcast_in_dim3A_64 = arith.constant 0 : i32
    %broadcast_in_dim3A_65 = vector.broadcast %broadcast_in_dim3A_64 : i32 to vector<16xi32>
    %broadcast_in_dim3A_66 = arith.constant 0 : i32
    %broadcast_in_dim3A_67 = vector.broadcast %broadcast_in_dim3A_66 : i32 to vector<16xi32>
    %broadcast_in_dim3A_68 = arith.constant 0 : i32
    %broadcast_in_dim3A_69 = vector.broadcast %broadcast_in_dim3A_68 : i32 to vector<16xi32>
    %broadcast_in_dim3A_70 = arith.constant 0 : i32
    %broadcast_in_dim3A_71 = vector.broadcast %broadcast_in_dim3A_70 : i32 to vector<16xi32>
    %broadcast_in_dim3A_72 = arith.constant 2560 : i32
    %broadcast_in_dim3A_73 = vector.broadcast %broadcast_in_dim3A_72 : i32 to vector<16xi32>
    %add3A_74 = arith.constant 0 : i32
    %add3A_75 = arith.addi %add3A_39, %add3A_74 : i32
    %dma_start3A = tpu.memref_slice %arg2[%add3A_75, %mul3A_11] : memref<16384x2048xf32, #tpu.memory_space<hbm>> -> memref<256x128xf32, #tpu.memory_space<hbm>>
    %dma_start3A_76 = tpu.memref_slice %arg2[%add3A_75, %mul3A_11] : memref<16384x2048xf32, #tpu.memory_space<hbm>> -> memref<256x128xf32, #tpu.memory_space<hbm>>
    tpu.enqueue_dma source(%dma_start3A_76 : memref<256x128xf32, #tpu.memory_space<hbm>>) target(%arg5 : memref<256x128xf32, #tpu.memory_space<vmem>>) target_semaphore(%arg9 : memref<!tpu.dma_semaphore, #tpu.memory_space<semaphore_mem>>)
    %add3A_77 = arith.constant 256 : i32
    %add3A_78 = arith.addi %add3A_39, %add3A_77 : i32
    %dma_start3A_79 = tpu.memref_slice %arg2[%add3A_78, %mul3A_11] : memref<16384x2048xf32, #tpu.memory_space<hbm>> -> memref<256x128xf32, #tpu.memory_space<hbm>>
    %dma_start3A_80 = tpu.memref_slice %arg2[%add3A_78, %mul3A_11] : memref<16384x2048xf32, #tpu.memory_space<hbm>> -> memref<256x128xf32, #tpu.memory_space<hbm>>
    tpu.enqueue_dma source(%dma_start3A_80 : memref<256x128xf32, #tpu.memory_space<hbm>>) target(%arg6 : memref<256x128xf32, #tpu.memory_space<vmem>>) target_semaphore(%arg10 : memref<!tpu.dma_semaphore, #tpu.memory_space<semaphore_mem>>)
    %dma_wait3A = tpu.memref_slice %arg2[%add3A_39, %mul3A_11] : memref<16384x2048xf32, #tpu.memory_space<hbm>> -> memref<256x128xf32, #tpu.memory_space<hbm>>
    %dma_wait3A_81 = tpu.memref_slice %arg2[%add3A_39, %mul3A_11] : memref<16384x2048xf32, #tpu.memory_space<hbm>> -> memref<256x128xf32, #tpu.memory_space<hbm>>
    tpu.wait_dma2 semaphore(%arg9 : memref<!tpu.dma_semaphore, #tpu.memory_space<semaphore_mem>>) src(%dma_wait3A_81 : memref<256x128xf32, #tpu.memory_space<hbm>>) dst(%arg5 : memref<256x128xf32, #tpu.memory_space<vmem>>)
    %scan3A = arith.constant 0 : i32
    %scan3A_82 = arith.constant 256 : i32
    %scan3A_83 = arith.addi %scan3A, %scan3A_82 : i32
    %scan3A_84 = arith.constant 1 : i32
    %scan3A_85:17 = scf.for %scan3A_412 = %scan3A to %scan3A_83 step %scan3A_84 iter_args(%scan3A_413 = %broadcast_in_dim3A_41, %scan3A_414 = %broadcast_in_dim3A_43, %scan3A_415 = %broadcast_in_dim3A_45, %scan3A_416 = %broadcast_in_dim3A_47, %scan3A_417 = %broadcast_in_dim3A_49, %scan3A_418 = %broadcast_in_dim3A_51, %scan3A_419 = %broadcast_in_dim3A_53, %scan3A_420 = %broadcast_in_dim3A_55, %scan3A_421 = %broadcast_in_dim3A_57, %scan3A_422 = %broadcast_in_dim3A_59, %scan3A_423 = %broadcast_in_dim3A_61, %scan3A_424 = %broadcast_in_dim3A_63, %scan3A_425 = %broadcast_in_dim3A_65, %scan3A_426 = %broadcast_in_dim3A_67, %scan3A_427 = %broadcast_in_dim3A_69, %scan3A_428 = %broadcast_in_dim3A_71, %scan3A_429 = %broadcast_in_dim3A_73) -> (vector<16xf32>, vector<16xf32>, vector<16xf32>, vector<16xf32>, vector<16xf32>, vector<16xf32>, vector<16xf32>, vector<16xf32>, vector<16xi32>, vector<16xi32>, vector<16xi32>, vector<16xi32>, vector<16xi32>, vector<16xi32>, vector<16xi32>, vector<16xi32>, vector<16xi32>)  : i32 {
      %get3A = arith.index_cast %scan3A_412 : i32 to index
      %get3A_430 = arith.constant 0 : index
      %get3A_431 = tpu.vector_load %arg5[%get3A, %get3A_430] {strides = array<i32>} : memref<256x128xf32, #tpu.memory_space<vmem>>, vector<1x16xf32>,
      %get3A_432 = vector.shape_cast %get3A_431 : vector<1x16xf32> to vector<16xf32>
      %lt3A_433 = arith.cmpf olt, %get3A_432, %scan3A_413 : vector<16xf32>
      %select_n3A_434 = arith.select %lt3A_433, %get3A_432, %scan3A_413 : vector<16xi1>, vector<16xf32>
      %select_n3A_435 = arith.select %lt3A_433, %scan3A_429, %scan3A_421 : vector<16xi1>, vector<16xi32>
      %get3A_436 = arith.index_cast %scan3A_412 : i32 to index
      %get3A_437 = arith.constant 16 : index
      %get3A_438 = tpu.vector_load %arg5[%get3A_436, %get3A_437] {strides = array<i32>} : memref<256x128xf32, #tpu.memory_space<vmem>>, vector<1x16xf32>,
      %get3A_439 = vector.shape_cast %get3A_438 : vector<1x16xf32> to vector<16xf32>
      %lt3A_440 = arith.cmpf olt, %get3A_439, %scan3A_414 : vector<16xf32>
      %select_n3A_441 = arith.select %lt3A_440, %get3A_439, %scan3A_414 : vector<16xi1>, vector<16xf32>
      %select_n3A_442 = arith.select %lt3A_440, %scan3A_429, %scan3A_422 : vector<16xi1>, vector<16xi32>
      %get3A_443 = arith.index_cast %scan3A_412 : i32 to index
      %get3A_444 = arith.constant 32 : index
      %get3A_445 = tpu.vector_load %arg5[%get3A_443, %get3A_444] {strides = array<i32>} : memref<256x128xf32, #tpu.memory_space<vmem>>, vector<1x16xf32>,
      %get3A_446 = vector.shape_cast %get3A_445 : vector<1x16xf32> to vector<16xf32>
      %lt3A_447 = arith.cmpf olt, %get3A_446, %scan3A_415 : vector<16xf32>
      %select_n3A_448 = arith.select %lt3A_447, %get3A_446, %scan3A_415 : vector<16xi1>, vector<16xf32>
      %select_n3A_449 = arith.select %lt3A_447, %scan3A_429, %scan3A_423 : vector<16xi1>, vector<16xi32>
      %get3A_450 = arith.index_cast %scan3A_412 : i32 to index
      %get3A_451 = arith.constant 48 : index
      %get3A_452 = tpu.vector_load %arg5[%get3A_450, %get3A_451] {strides = array<i32>} : memref<256x128xf32, #tpu.memory_space<vmem>>, vector<1x16xf32>,
      %get3A_453 = vector.shape_cast %get3A_452 : vector<1x16xf32> to vector<16xf32>
      %lt3A_454 = arith.cmpf olt, %get3A_453, %scan3A_416 : vector<16xf32>
      %select_n3A_455 = arith.select %lt3A_454, %get3A_453, %scan3A_416 : vector<16xi1>, vector<16xf32>
      %select_n3A_456 = arith.select %lt3A_454, %scan3A_429, %scan3A_424 : vector<16xi1>, vector<16xi32>
      %get3A_457 = arith.index_cast %scan3A_412 : i32 to index
      %get3A_458 = arith.constant 64 : index
      %get3A_459 = tpu.vector_load %arg5[%get3A_457, %get3A_458] {strides = array<i32>} : memref<256x128xf32, #tpu.memory_space<vmem>>, vector<1x16xf32>,
      %get3A_460 = vector.shape_cast %get3A_459 : vector<1x16xf32> to vector<16xf32>
      %lt3A_461 = arith.cmpf olt, %get3A_460, %scan3A_417 : vector<16xf32>
      %select_n3A_462 = arith.select %lt3A_461, %get3A_460, %scan3A_417 : vector<16xi1>, vector<16xf32>
      %select_n3A_463 = arith.select %lt3A_461, %scan3A_429, %scan3A_425 : vector<16xi1>, vector<16xi32>
      %get3A_464 = arith.index_cast %scan3A_412 : i32 to index
      %get3A_465 = arith.constant 80 : index
      %get3A_466 = tpu.vector_load %arg5[%get3A_464, %get3A_465] {strides = array<i32>} : memref<256x128xf32, #tpu.memory_space<vmem>>, vector<1x16xf32>,
      %get3A_467 = vector.shape_cast %get3A_466 : vector<1x16xf32> to vector<16xf32>
      %lt3A_468 = arith.cmpf olt, %get3A_467, %scan3A_418 : vector<16xf32>
      %select_n3A_469 = arith.select %lt3A_468, %get3A_467, %scan3A_418 : vector<16xi1>, vector<16xf32>
      %select_n3A_470 = arith.select %lt3A_468, %scan3A_429, %scan3A_426 : vector<16xi1>, vector<16xi32>
      %get3A_471 = arith.index_cast %scan3A_412 : i32 to index
      %get3A_472 = arith.constant 96 : index
      %get3A_473 = tpu.vector_load %arg5[%get3A_471, %get3A_472] {strides = array<i32>} : memref<256x128xf32, #tpu.memory_space<vmem>>, vector<1x16xf32>,
      %get3A_474 = vector.shape_cast %get3A_473 : vector<1x16xf32> to vector<16xf32>
      %lt3A_475 = arith.cmpf olt, %get3A_474, %scan3A_419 : vector<16xf32>
      %select_n3A_476 = arith.select %lt3A_475, %get3A_474, %scan3A_419 : vector<16xi1>, vector<16xf32>
      %select_n3A_477 = arith.select %lt3A_475, %scan3A_429, %scan3A_427 : vector<16xi1>, vector<16xi32>
      %get3A_478 = arith.index_cast %scan3A_412 : i32 to index
      %get3A_479 = arith.constant 112 : index
      %get3A_480 = tpu.vector_load %arg5[%get3A_478, %get3A_479] {strides = array<i32>} : memref<256x128xf32, #tpu.memory_space<vmem>>, vector<1x16xf32>,
      %get3A_481 = vector.shape_cast %get3A_480 : vector<1x16xf32> to vector<16xf32>
      %lt3A_482 = arith.cmpf olt, %get3A_481, %scan3A_420 : vector<16xf32>
      %select_n3A_483 = arith.select %lt3A_482, %get3A_481, %scan3A_420 : vector<16xi1>, vector<16xf32>
      %select_n3A_484 = arith.select %lt3A_482, %scan3A_429, %scan3A_428 : vector<16xi1>, vector<16xi32>
      %add3A_485 = arith.addi %scan3A_429, %broadcast_in_dim3A_12 : vector<16xi32>
      scf.yield %select_n3A_434, %select_n3A_441, %select_n3A_448, %select_n3A_455, %select_n3A_462, %select_n3A_469, %select_n3A_476, %select_n3A_483, %select_n3A_435, %select_n3A_442, %select_n3A_449, %select_n3A_456, %select_n3A_463, %select_n3A_470, %select_n3A_477, %select_n3A_484, %add3A_485 : vector<16xf32>, vector<16xf32>, vector<16xf32>, vector<16xf32>, vector<16xf32>, vector<16xf32>, vector<16xf32>, vector<16xf32>, vector<16xi32>, vector<16xi32>, vector<16xi32>, vector<16xi32>, vector<16xi32>, vector<16xi32>, vector<16xi32>, vector<16xi32>, vector<16xi32>
    }
    %scan3A_86 = arith.constant 256 : i32
    %add3A_87 = arith.constant 512 : i32
    %add3A_88 = arith.addi %add3A_39, %add3A_87 : i32
    %dma_start3A_89 = tpu.memref_slice %arg2[%add3A_88, %mul3A_11] : memref<16384x2048xf32, #tpu.memory_space<hbm>> -> memref<256x128xf32, #tpu.memory_space<hbm>>
    %dma_start3A_90 = tpu.memref_slice %arg2[%add3A_88, %mul3A_11] : memref<16384x2048xf32, #tpu.memory_space<hbm>> -> memref<256x128xf32, #tpu.memory_space<hbm>>
    tpu.enqueue_dma source(%dma_start3A_90 : memref<256x128xf32, #tpu.memory_space<hbm>>) target(%arg5 : memref<256x128xf32, #tpu.memory_space<vmem>>) target_semaphore(%arg9 : memref<!tpu.dma_semaphore, #tpu.memory_space<semaphore_mem>>)
    %dma_wait3A_91 = tpu.memref_slice %arg2[%add3A_39, %mul3A_11] : memref<16384x2048xf32, #tpu.memory_space<hbm>> -> memref<256x128xf32, #tpu.memory_space<hbm>>
    %dma_wait3A_92 = tpu.memref_slice %arg2[%add3A_39, %mul3A_11] : memref<16384x2048xf32, #tpu.memory_space<hbm>> -> memref<256x128xf32, #tpu.memory_space<hbm>>
    tpu.wait_dma2 semaphore(%arg10 : memref<!tpu.dma_semaphore, #tpu.memory_space<semaphore_mem>>) src(%dma_wait3A_92 : memref<256x128xf32, #tpu.memory_space<hbm>>) dst(%arg6 : memref<256x128xf32, #tpu.memory_space<vmem>>)
    %scan3A_93 = arith.constant 0 : i32
    %scan3A_94 = arith.constant 256 : i32
    %scan3A_95 = arith.addi %scan3A_93, %scan3A_94 : i32
    %scan3A_96 = arith.constant 1 : i32
    %scan3A_97:17 = scf.for %scan3A_412 = %scan3A_93 to %scan3A_95 step %scan3A_96 iter_args(%scan3A_413 = %scan3A_85#0, %scan3A_414 = %scan3A_85#1, %scan3A_415 = %scan3A_85#2, %scan3A_416 = %scan3A_85#3, %scan3A_417 = %scan3A_85#4, %scan3A_418 = %scan3A_85#5, %scan3A_419 = %scan3A_85#6, %scan3A_420 = %scan3A_85#7, %scan3A_421 = %scan3A_85#8, %scan3A_422 = %scan3A_85#9, %scan3A_423 = %scan3A_85#10, %scan3A_424 = %scan3A_85#11, %scan3A_425 = %scan3A_85#12, %scan3A_426 = %scan3A_85#13, %scan3A_427 = %scan3A_85#14, %scan3A_428 = %scan3A_85#15, %scan3A_429 = %scan3A_85#16) -> (vector<16xf32>, vector<16xf32>, vector<16xf32>, vector<16xf32>, vector<16xf32>, vector<16xf32>, vector<16xf32>, vector<16xf32>, vector<16xi32>, vector<16xi32>, vector<16xi32>, vector<16xi32>, vector<16xi32>, vector<16xi32>, vector<16xi32>, vector<16xi32>, vector<16xi32>)  : i32 {
      %get3A = arith.index_cast %scan3A_412 : i32 to index
      %get3A_430 = arith.constant 0 : index
      %get3A_431 = tpu.vector_load %arg6[%get3A, %get3A_430] {strides = array<i32>} : memref<256x128xf32, #tpu.memory_space<vmem>>, vector<1x16xf32>,
      %get3A_432 = vector.shape_cast %get3A_431 : vector<1x16xf32> to vector<16xf32>
      %lt3A_433 = arith.cmpf olt, %get3A_432, %scan3A_413 : vector<16xf32>
      %select_n3A_434 = arith.select %lt3A_433, %get3A_432, %scan3A_413 : vector<16xi1>, vector<16xf32>
      %select_n3A_435 = arith.select %lt3A_433, %scan3A_429, %scan3A_421 : vector<16xi1>, vector<16xi32>
      %get3A_436 = arith.index_cast %scan3A_412 : i32 to index
      %get3A_437 = arith.constant 16 : index
      %get3A_438 = tpu.vector_load %arg6[%get3A_436, %get3A_437] {strides = array<i32>} : memref<256x128xf32, #tpu.memory_space<vmem>>, vector<1x16xf32>,
      %get3A_439 = vector.shape_cast %get3A_438 : vector<1x16xf32> to vector<16xf32>
      %lt3A_440 = arith.cmpf olt, %get3A_439, %scan3A_414 : vector<16xf32>
      %select_n3A_441 = arith.select %lt3A_440, %get3A_439, %scan3A_414 : vector<16xi1>, vector<16xf32>
      %select_n3A_442 = arith.select %lt3A_440, %scan3A_429, %scan3A_422 : vector<16xi1>, vector<16xi32>
      %get3A_443 = arith.index_cast %scan3A_412 : i32 to index
      %get3A_444 = arith.constant 32 : index
      %get3A_445 = tpu.vector_load %arg6[%get3A_443, %get3A_444] {strides = array<i32>} : memref<256x128xf32, #tpu.memory_space<vmem>>, vector<1x16xf32>,
      %get3A_446 = vector.shape_cast %get3A_445 : vector<1x16xf32> to vector<16xf32>
      %lt3A_447 = arith.cmpf olt, %get3A_446, %scan3A_415 : vector<16xf32>
      %select_n3A_448 = arith.select %lt3A_447, %get3A_446, %scan3A_415 : vector<16xi1>, vector<16xf32>
      %select_n3A_449 = arith.select %lt3A_447, %scan3A_429, %scan3A_423 : vector<16xi1>, vector<16xi32>
      %get3A_450 = arith.index_cast %scan3A_412 : i32 to index
      %get3A_451 = arith.constant 48 : index
      %get3A_452 = tpu.vector_load %arg6[%get3A_450, %get3A_451] {strides = array<i32>} : memref<256x128xf32, #tpu.memory_space<vmem>>, vector<1x16xf32>,
      %get3A_453 = vector.shape_cast %get3A_452 : vector<1x16xf32> to vector<16xf32>
      %lt3A_454 = arith.cmpf olt, %get3A_453, %scan3A_416 : vector<16xf32>
      %select_n3A_455 = arith.select %lt3A_454, %get3A_453, %scan3A_416 : vector<16xi1>, vector<16xf32>
      %select_n3A_456 = arith.select %lt3A_454, %scan3A_429, %scan3A_424 : vector<16xi1>, vector<16xi32>
      %get3A_457 = arith.index_cast %scan3A_412 : i32 to index
      %get3A_458 = arith.constant 64 : index
      %get3A_459 = tpu.vector_load %arg6[%get3A_457, %get3A_458] {strides = array<i32>} : memref<256x128xf32, #tpu.memory_space<vmem>>, vector<1x16xf32>,
      %get3A_460 = vector.shape_cast %get3A_459 : vector<1x16xf32> to vector<16xf32>
      %lt3A_461 = arith.cmpf olt, %get3A_460, %scan3A_417 : vector<16xf32>
      %select_n3A_462 = arith.select %lt3A_461, %get3A_460, %scan3A_417 : vector<16xi1>, vector<16xf32>
      %select_n3A_463 = arith.select %lt3A_461, %scan3A_429, %scan3A_425 : vector<16xi1>, vector<16xi32>
      %get3A_464 = arith.index_cast %scan3A_412 : i32 to index
      %get3A_465 = arith.constant 80 : index
      %get3A_466 = tpu.vector_load %arg6[%get3A_464, %get3A_465] {strides = array<i32>} : memref<256x128xf32, #tpu.memory_space<vmem>>, vector<1x16xf32>,
      %get3A_467 = vector.shape_cast %get3A_466 : vector<1x16xf32> to vector<16xf32>
      %lt3A_468 = arith.cmpf olt, %get3A_467, %scan3A_418 : vector<16xf32>
      %select_n3A_469 = arith.select %lt3A_468, %get3A_467, %scan3A_418 : vector<16xi1>, vector<16xf32>
      %select_n3A_470 = arith.select %lt3A_468, %scan3A_429, %scan3A_426 : vector<16xi1>, vector<16xi32>
      %get3A_471 = arith.index_cast %scan3A_412 : i32 to index
      %get3A_472 = arith.constant 96 : index
      %get3A_473 = tpu.vector_load %arg6[%get3A_471, %get3A_472] {strides = array<i32>} : memref<256x128xf32, #tpu.memory_space<vmem>>, vector<1x16xf32>,
      %get3A_474 = vector.shape_cast %get3A_473 : vector<1x16xf32> to vector<16xf32>
      %lt3A_475 = arith.cmpf olt, %get3A_474, %scan3A_419 : vector<16xf32>
      %select_n3A_476 = arith.select %lt3A_475, %get3A_474, %scan3A_419 : vector<16xi1>, vector<16xf32>
      %select_n3A_477 = arith.select %lt3A_475, %scan3A_429, %scan3A_427 : vector<16xi1>, vector<16xi32>
      %get3A_478 = arith.index_cast %scan3A_412 : i32 to index
      %get3A_479 = arith.constant 112 : index
      %get3A_480 = tpu.vector_load %arg6[%get3A_478, %get3A_479] {strides = array<i32>} : memref<256x128xf32, #tpu.memory_space<vmem>>, vector<1x16xf32>,
      %get3A_481 = vector.shape_cast %get3A_480 : vector<1x16xf32> to vector<16xf32>
      %lt3A_482 = arith.cmpf olt, %get3A_481, %scan3A_420 : vector<16xf32>
      %select_n3A_483 = arith.select %lt3A_482, %get3A_481, %scan3A_420 : vector<16xi1>, vector<16xf32>
      %select_n3A_484 = arith.select %lt3A_482, %scan3A_429, %scan3A_428 : vector<16xi1>, vector<16xi32>
      %add3A_485 = arith.addi %scan3A_429, %broadcast_in_dim3A_12 : vector<16xi32>
      scf.yield %select_n3A_434, %select_n3A_441, %select_n3A_448, %select_n3A_455, %select_n3A_462, %select_n3A_469, %select_n3A_476, %select_n3A_483, %select_n3A_435, %select_n3A_442, %select_n3A_449, %select_n3A_456, %select_n3A_463, %select_n3A_470, %select_n3A_477, %select_n3A_484, %add3A_485 : vector<16xf32>, vector<16xf32>, vector<16xf32>, vector<16xf32>, vector<16xf32>, vector<16xf32>, vector<16xf32>, vector<16xf32>, vector<16xi32>, vector<16xi32>, vector<16xi32>, vector<16xi32>, vector<16xi32>, vector<16xi32>, vector<16xi32>, vector<16xi32>, vector<16xi32>
    }
    %scan3A_98 = arith.constant 256 : i32
    %add3A_99 = arith.constant 768 : i32
    %add3A_100 = arith.addi %add3A_39, %add3A_99 : i32
    %dma_start3A_101 = tpu.memref_slice %arg2[%add3A_100, %mul3A_11] : memref<16384x2048xf32, #tpu.memory_space<hbm>> -> memref<256x128xf32, #tpu.memory_space<hbm>>
    %dma_start3A_102 = tpu.memref_slice %arg2[%add3A_100, %mul3A_11] : memref<16384x2048xf32, #tpu.memory_space<hbm>> -> memref<256x128xf32, #tpu.memory_space<hbm>>
    tpu.enqueue_dma source(%dma_start3A_102 : memref<256x128xf32, #tpu.memory_space<hbm>>) target(%arg6 : memref<256x128xf32, #tpu.memory_space<vmem>>) target_semaphore(%arg10 : memref<!tpu.dma_semaphore, #tpu.memory_space<semaphore_mem>>)
    %dma_wait3A_103 = tpu.memref_slice %arg2[%add3A_39, %mul3A_11] : memref<16384x2048xf32, #tpu.memory_space<hbm>> -> memref<256x128xf32, #tpu.memory_space<hbm>>
    %dma_wait3A_104 = tpu.memref_slice %arg2[%add3A_39, %mul3A_11] : memref<16384x2048xf32, #tpu.memory_space<hbm>> -> memref<256x128xf32, #tpu.memory_space<hbm>>
    tpu.wait_dma2 semaphore(%arg9 : memref<!tpu.dma_semaphore, #tpu.memory_space<semaphore_mem>>) src(%dma_wait3A_104 : memref<256x128xf32, #tpu.memory_space<hbm>>) dst(%arg5 : memref<256x128xf32, #tpu.memory_space<vmem>>)
    %scan3A_105 = arith.constant 0 : i32
    %scan3A_106 = arith.constant 256 : i32
    %scan3A_107 = arith.addi %scan3A_105, %scan3A_106 : i32
    %scan3A_108 = arith.constant 1 : i32
    %scan3A_109:17 = scf.for %scan3A_412 = %scan3A_105 to %scan3A_107 step %scan3A_108 iter_args(%scan3A_413 = %scan3A_97#0, %scan3A_414 = %scan3A_97#1, %scan3A_415 = %scan3A_97#2, %scan3A_416 = %scan3A_97#3, %scan3A_417 = %scan3A_97#4, %scan3A_418 = %scan3A_97#5, %scan3A_419 = %scan3A_97#6, %scan3A_420 = %scan3A_97#7, %scan3A_421 = %scan3A_97#8, %scan3A_422 = %scan3A_97#9, %scan3A_423 = %scan3A_97#10, %scan3A_424 = %scan3A_97#11, %scan3A_425 = %scan3A_97#12, %scan3A_426 = %scan3A_97#13, %scan3A_427 = %scan3A_97#14, %scan3A_428 = %scan3A_97#15, %scan3A_429 = %scan3A_97#16) -> (vector<16xf32>, vector<16xf32>, vector<16xf32>, vector<16xf32>, vector<16xf32>, vector<16xf32>, vector<16xf32>, vector<16xf32>, vector<16xi32>, vector<16xi32>, vector<16xi32>, vector<16xi32>, vector<16xi32>, vector<16xi32>, vector<16xi32>, vector<16xi32>, vector<16xi32>)  : i32 {
      %get3A = arith.index_cast %scan3A_412 : i32 to index
      %get3A_430 = arith.constant 0 : index
      %get3A_431 = tpu.vector_load %arg5[%get3A, %get3A_430] {strides = array<i32>} : memref<256x128xf32, #tpu.memory_space<vmem>>, vector<1x16xf32>,
      %get3A_432 = vector.shape_cast %get3A_431 : vector<1x16xf32> to vector<16xf32>
      %lt3A_433 = arith.cmpf olt, %get3A_432, %scan3A_413 : vector<16xf32>
      %select_n3A_434 = arith.select %lt3A_433, %get3A_432, %scan3A_413 : vector<16xi1>, vector<16xf32>
      %select_n3A_435 = arith.select %lt3A_433, %scan3A_429, %scan3A_421 : vector<16xi1>, vector<16xi32>
      %get3A_436 = arith.index_cast %scan3A_412 : i32 to index
      %get3A_437 = arith.constant 16 : index
      %get3A_438 = tpu.vector_load %arg5[%get3A_436, %get3A_437] {strides = array<i32>} : memref<256x128xf32, #tpu.memory_space<vmem>>, vector<1x16xf32>,
      %get3A_439 = vector.shape_cast %get3A_438 : vector<1x16xf32> to vector<16xf32>
      %lt3A_440 = arith.cmpf olt, %get3A_439, %scan3A_414 : vector<16xf32>
      %select_n3A_441 = arith.select %lt3A_440, %get3A_439, %scan3A_414 : vector<16xi1>, vector<16xf32>
      %select_n3A_442 = arith.select %lt3A_440, %scan3A_429, %scan3A_422 : vector<16xi1>, vector<16xi32>
      %get3A_443 = arith.index_cast %scan3A_412 : i32 to index
      %get3A_444 = arith.constant 32 : index
      %get3A_445 = tpu.vector_load %arg5[%get3A_443, %get3A_444] {strides = array<i32>} : memref<256x128xf32, #tpu.memory_space<vmem>>, vector<1x16xf32>,
      %get3A_446 = vector.shape_cast %get3A_445 : vector<1x16xf32> to vector<16xf32>
      %lt3A_447 = arith.cmpf olt, %get3A_446, %scan3A_415 : vector<16xf32>
      %select_n3A_448 = arith.select %lt3A_447, %get3A_446, %scan3A_415 : vector<16xi1>, vector<16xf32>
      %select_n3A_449 = arith.select %lt3A_447, %scan3A_429, %scan3A_423 : vector<16xi1>, vector<16xi32>
      %get3A_450 = arith.index_cast %scan3A_412 : i32 to index
      %get3A_451 = arith.constant 48 : index
      %get3A_452 = tpu.vector_load %arg5[%get3A_450, %get3A_451] {strides = array<i32>} : memref<256x128xf32, #tpu.memory_space<vmem>>, vector<1x16xf32>,
      %get3A_453 = vector.shape_cast %get3A_452 : vector<1x16xf32> to vector<16xf32>
      %lt3A_454 = arith.cmpf olt, %get3A_453, %scan3A_416 : vector<16xf32>
      %select_n3A_455 = arith.select %lt3A_454, %get3A_453, %scan3A_416 : vector<16xi1>, vector<16xf32>
      %select_n3A_456 = arith.select %lt3A_454, %scan3A_429, %scan3A_424 : vector<16xi1>, vector<16xi32>
      %get3A_457 = arith.index_cast %scan3A_412 : i32 to index
      %get3A_458 = arith.constant 64 : index
      %get3A_459 = tpu.vector_load %arg5[%get3A_457, %get3A_458] {strides = array<i32>} : memref<256x128xf32, #tpu.memory_space<vmem>>, vector<1x16xf32>,
      %get3A_460 = vector.shape_cast %get3A_459 : vector<1x16xf32> to vector<16xf32>
      %lt3A_461 = arith.cmpf olt, %get3A_460, %scan3A_417 : vector<16xf32>
      %select_n3A_462 = arith.select %lt3A_461, %get3A_460, %scan3A_417 : vector<16xi1>, vector<16xf32>
      %select_n3A_463 = arith.select %lt3A_461, %scan3A_429, %scan3A_425 : vector<16xi1>, vector<16xi32>
      %get3A_464 = arith.index_cast %scan3A_412 : i32 to index
      %get3A_465 = arith.constant 80 : index
      %get3A_466 = tpu.vector_load %arg5[%get3A_464, %get3A_465] {strides = array<i32>} : memref<256x128xf32, #tpu.memory_space<vmem>>, vector<1x16xf32>,
      %get3A_467 = vector.shape_cast %get3A_466 : vector<1x16xf32> to vector<16xf32>
      %lt3A_468 = arith.cmpf olt, %get3A_467, %scan3A_418 : vector<16xf32>
      %select_n3A_469 = arith.select %lt3A_468, %get3A_467, %scan3A_418 : vector<16xi1>, vector<16xf32>
      %select_n3A_470 = arith.select %lt3A_468, %scan3A_429, %scan3A_426 : vector<16xi1>, vector<16xi32>
      %get3A_471 = arith.index_cast %scan3A_412 : i32 to index
      %get3A_472 = arith.constant 96 : index
      %get3A_473 = tpu.vector_load %arg5[%get3A_471, %get3A_472] {strides = array<i32>} : memref<256x128xf32, #tpu.memory_space<vmem>>, vector<1x16xf32>,
      %get3A_474 = vector.shape_cast %get3A_473 : vector<1x16xf32> to vector<16xf32>
      %lt3A_475 = arith.cmpf olt, %get3A_474, %scan3A_419 : vector<16xf32>
      %select_n3A_476 = arith.select %lt3A_475, %get3A_474, %scan3A_419 : vector<16xi1>, vector<16xf32>
      %select_n3A_477 = arith.select %lt3A_475, %scan3A_429, %scan3A_427 : vector<16xi1>, vector<16xi32>
      %get3A_478 = arith.index_cast %scan3A_412 : i32 to index
      %get3A_479 = arith.constant 112 : index
      %get3A_480 = tpu.vector_load %arg5[%get3A_478, %get3A_479] {strides = array<i32>} : memref<256x128xf32, #tpu.memory_space<vmem>>, vector<1x16xf32>,
      %get3A_481 = vector.shape_cast %get3A_480 : vector<1x16xf32> to vector<16xf32>
      %lt3A_482 = arith.cmpf olt, %get3A_481, %scan3A_420 : vector<16xf32>
      %select_n3A_483 = arith.select %lt3A_482, %get3A_481, %scan3A_420 : vector<16xi1>, vector<16xf32>
      %select_n3A_484 = arith.select %lt3A_482, %scan3A_429, %scan3A_428 : vector<16xi1>, vector<16xi32>
      %add3A_485 = arith.addi %scan3A_429, %broadcast_in_dim3A_12 : vector<16xi32>
      scf.yield %select_n3A_434, %select_n3A_441, %select_n3A_448, %select_n3A_455, %select_n3A_462, %select_n3A_469, %select_n3A_476, %select_n3A_483, %select_n3A_435, %select_n3A_442, %select_n3A_449, %select_n3A_456, %select_n3A_463, %select_n3A_470, %select_n3A_477, %select_n3A_484, %add3A_485 : vector<16xf32>, vector<16xf32>, vector<16xf32>, vector<16xf32>, vector<16xf32>, vector<16xf32>, vector<16xf32>, vector<16xf32>, vector<16xi32>, vector<16xi32>, vector<16xi32>, vector<16xi32>, vector<16xi32>, vector<16xi32>, vector<16xi32>, vector<16xi32>, vector<16xi32>
    }
    %scan3A_110 = arith.constant 256 : i32
    %add3A_111 = arith.constant 1024 : i32
    %add3A_112 = arith.addi %add3A_39, %add3A_111 : i32
    %dma_start3A_113 = tpu.memref_slice %arg2[%add3A_112, %mul3A_11] : memref<16384x2048xf32, #tpu.memory_space<hbm>> -> memref<256x128xf32, #tpu.memory_space<hbm>>
    %dma_start3A_114 = tpu.memref_slice %arg2[%add3A_112, %mul3A_11] : memref<16384x2048xf32, #tpu.memory_space<hbm>> -> memref<256x128xf32, #tpu.memory_space<hbm>>
    tpu.enqueue_dma source(%dma_start3A_114 : memref<256x128xf32, #tpu.memory_space<hbm>>) target(%arg5 : memref<256x128xf32, #tpu.memory_space<vmem>>) target_semaphore(%arg9 : memref<!tpu.dma_semaphore, #tpu.memory_space<semaphore_mem>>)
    %dma_wait3A_115 = tpu.memref_slice %arg2[%add3A_39, %mul3A_11] : memref<16384x2048xf32, #tpu.memory_space<hbm>> -> memref<256x128xf32, #tpu.memory_space<hbm>>
    %dma_wait3A_116 = tpu.memref_slice %arg2[%add3A_39, %mul3A_11] : memref<16384x2048xf32, #tpu.memory_space<hbm>> -> memref<256x128xf32, #tpu.memory_space<hbm>>
    tpu.wait_dma2 semaphore(%arg10 : memref<!tpu.dma_semaphore, #tpu.memory_space<semaphore_mem>>) src(%dma_wait3A_116 : memref<256x128xf32, #tpu.memory_space<hbm>>) dst(%arg6 : memref<256x128xf32, #tpu.memory_space<vmem>>)
    %scan3A_117 = arith.constant 0 : i32
    %scan3A_118 = arith.constant 256 : i32
    %scan3A_119 = arith.addi %scan3A_117, %scan3A_118 : i32
    %scan3A_120 = arith.constant 1 : i32
    %scan3A_121:17 = scf.for %scan3A_412 = %scan3A_117 to %scan3A_119 step %scan3A_120 iter_args(%scan3A_413 = %scan3A_109#0, %scan3A_414 = %scan3A_109#1, %scan3A_415 = %scan3A_109#2, %scan3A_416 = %scan3A_109#3, %scan3A_417 = %scan3A_109#4, %scan3A_418 = %scan3A_109#5, %scan3A_419 = %scan3A_109#6, %scan3A_420 = %scan3A_109#7, %scan3A_421 = %scan3A_109#8, %scan3A_422 = %scan3A_109#9, %scan3A_423 = %scan3A_109#10, %scan3A_424 = %scan3A_109#11, %scan3A_425 = %scan3A_109#12, %scan3A_426 = %scan3A_109#13, %scan3A_427 = %scan3A_109#14, %scan3A_428 = %scan3A_109#15, %scan3A_429 = %scan3A_109#16) -> (vector<16xf32>, vector<16xf32>, vector<16xf32>, vector<16xf32>, vector<16xf32>, vector<16xf32>, vector<16xf32>, vector<16xf32>, vector<16xi32>, vector<16xi32>, vector<16xi32>, vector<16xi32>, vector<16xi32>, vector<16xi32>, vector<16xi32>, vector<16xi32>, vector<16xi32>)  : i32 {
      %get3A = arith.index_cast %scan3A_412 : i32 to index
      %get3A_430 = arith.constant 0 : index
      %get3A_431 = tpu.vector_load %arg6[%get3A, %get3A_430] {strides = array<i32>} : memref<256x128xf32, #tpu.memory_space<vmem>>, vector<1x16xf32>,
      %get3A_432 = vector.shape_cast %get3A_431 : vector<1x16xf32> to vector<16xf32>
      %lt3A_433 = arith.cmpf olt, %get3A_432, %scan3A_413 : vector<16xf32>
      %select_n3A_434 = arith.select %lt3A_433, %get3A_432, %scan3A_413 : vector<16xi1>, vector<16xf32>
      %select_n3A_435 = arith.select %lt3A_433, %scan3A_429, %scan3A_421 : vector<16xi1>, vector<16xi32>
      %get3A_436 = arith.index_cast %scan3A_412 : i32 to index
      %get3A_437 = arith.constant 16 : index
      %get3A_438 = tpu.vector_load %arg6[%get3A_436, %get3A_437] {strides = array<i32>} : memref<256x128xf32, #tpu.memory_space<vmem>>, vector<1x16xf32>,
      %get3A_439 = vector.shape_cast %get3A_438 : vector<1x16xf32> to vector<16xf32>
      %lt3A_440 = arith.cmpf olt, %get3A_439, %scan3A_414 : vector<16xf32>
      %select_n3A_441 = arith.select %lt3A_440, %get3A_439, %scan3A_414 : vector<16xi1>, vector<16xf32>
      %select_n3A_442 = arith.select %lt3A_440, %scan3A_429, %scan3A_422 : vector<16xi1>, vector<16xi32>
      %get3A_443 = arith.index_cast %scan3A_412 : i32 to index
      %get3A_444 = arith.constant 32 : index
      %get3A_445 = tpu.vector_load %arg6[%get3A_443, %get3A_444] {strides = array<i32>} : memref<256x128xf32, #tpu.memory_space<vmem>>, vector<1x16xf32>,
      %get3A_446 = vector.shape_cast %get3A_445 : vector<1x16xf32> to vector<16xf32>
      %lt3A_447 = arith.cmpf olt, %get3A_446, %scan3A_415 : vector<16xf32>
      %select_n3A_448 = arith.select %lt3A_447, %get3A_446, %scan3A_415 : vector<16xi1>, vector<16xf32>
      %select_n3A_449 = arith.select %lt3A_447, %scan3A_429, %scan3A_423 : vector<16xi1>, vector<16xi32>
      %get3A_450 = arith.index_cast %scan3A_412 : i32 to index
      %get3A_451 = arith.constant 48 : index
      %get3A_452 = tpu.vector_load %arg6[%get3A_450, %get3A_451] {strides = array<i32>} : memref<256x128xf32, #tpu.memory_space<vmem>>, vector<1x16xf32>,
      %get3A_453 = vector.shape_cast %get3A_452 : vector<1x16xf32> to vector<16xf32>
      %lt3A_454 = arith.cmpf olt, %get3A_453, %scan3A_416 : vector<16xf32>
      %select_n3A_455 = arith.select %lt3A_454, %get3A_453, %scan3A_416 : vector<16xi1>, vector<16xf32>
      %select_n3A_456 = arith.select %lt3A_454, %scan3A_429, %scan3A_424 : vector<16xi1>, vector<16xi32>
      %get3A_457 = arith.index_cast %scan3A_412 : i32 to index
      %get3A_458 = arith.constant 64 : index
      %get3A_459 = tpu.vector_load %arg6[%get3A_457, %get3A_458] {strides = array<i32>} : memref<256x128xf32, #tpu.memory_space<vmem>>, vector<1x16xf32>,
      %get3A_460 = vector.shape_cast %get3A_459 : vector<1x16xf32> to vector<16xf32>
      %lt3A_461 = arith.cmpf olt, %get3A_460, %scan3A_417 : vector<16xf32>
      %select_n3A_462 = arith.select %lt3A_461, %get3A_460, %scan3A_417 : vector<16xi1>, vector<16xf32>
      %select_n3A_463 = arith.select %lt3A_461, %scan3A_429, %scan3A_425 : vector<16xi1>, vector<16xi32>
      %get3A_464 = arith.index_cast %scan3A_412 : i32 to index
      %get3A_465 = arith.constant 80 : index
      %get3A_466 = tpu.vector_load %arg6[%get3A_464, %get3A_465] {strides = array<i32>} : memref<256x128xf32, #tpu.memory_space<vmem>>, vector<1x16xf32>,
      %get3A_467 = vector.shape_cast %get3A_466 : vector<1x16xf32> to vector<16xf32>
      %lt3A_468 = arith.cmpf olt, %get3A_467, %scan3A_418 : vector<16xf32>
      %select_n3A_469 = arith.select %lt3A_468, %get3A_467, %scan3A_418 : vector<16xi1>, vector<16xf32>
      %select_n3A_470 = arith.select %lt3A_468, %scan3A_429, %scan3A_426 : vector<16xi1>, vector<16xi32>
      %get3A_471 = arith.index_cast %scan3A_412 : i32 to index
      %get3A_472 = arith.constant 96 : index
      %get3A_473 = tpu.vector_load %arg6[%get3A_471, %get3A_472] {strides = array<i32>} : memref<256x128xf32, #tpu.memory_space<vmem>>, vector<1x16xf32>,
      %get3A_474 = vector.shape_cast %get3A_473 : vector<1x16xf32> to vector<16xf32>
      %lt3A_475 = arith.cmpf olt, %get3A_474, %scan3A_419 : vector<16xf32>
      %select_n3A_476 = arith.select %lt3A_475, %get3A_474, %scan3A_419 : vector<16xi1>, vector<16xf32>
      %select_n3A_477 = arith.select %lt3A_475, %scan3A_429, %scan3A_427 : vector<16xi1>, vector<16xi32>
      %get3A_478 = arith.index_cast %scan3A_412 : i32 to index
      %get3A_479 = arith.constant 112 : index
      %get3A_480 = tpu.vector_load %arg6[%get3A_478, %get3A_479] {strides = array<i32>} : memref<256x128xf32, #tpu.memory_space<vmem>>, vector<1x16xf32>,
      %get3A_481 = vector.shape_cast %get3A_480 : vector<1x16xf32> to vector<16xf32>
      %lt3A_482 = arith.cmpf olt, %get3A_481, %scan3A_420 : vector<16xf32>
      %select_n3A_483 = arith.select %lt3A_482, %get3A_481, %scan3A_420 : vector<16xi1>, vector<16xf32>
      %select_n3A_484 = arith.select %lt3A_482, %scan3A_429, %scan3A_428 : vector<16xi1>, vector<16xi32>
      %add3A_485 = arith.addi %scan3A_429, %broadcast_in_dim3A_12 : vector<16xi32>
      scf.yield %select_n3A_434, %select_n3A_441, %select_n3A_448, %select_n3A_455, %select_n3A_462, %select_n3A_469, %select_n3A_476, %select_n3A_483, %select_n3A_435, %select_n3A_442, %select_n3A_449, %select_n3A_456, %select_n3A_463, %select_n3A_470, %select_n3A_477, %select_n3A_484, %add3A_485 : vector<16xf32>, vector<16xf32>, vector<16xf32>, vector<16xf32>, vector<16xf32>, vector<16xf32>, vector<16xf32>, vector<16xf32>, vector<16xi32>, vector<16xi32>, vector<16xi32>, vector<16xi32>, vector<16xi32>, vector<16xi32>, vector<16xi32>, vector<16xi32>, vector<16xi32>
    }
    %scan3A_122 = arith.constant 256 : i32
    %add3A_123 = arith.constant 1280 : i32
    %add3A_124 = arith.addi %add3A_39, %add3A_123 : i32
    %dma_start3A_125 = tpu.memref_slice %arg2[%add3A_124, %mul3A_11] : memref<16384x2048xf32, #tpu.memory_space<hbm>> -> memref<256x128xf32, #tpu.memory_space<hbm>>
    %dma_start3A_126 = tpu.memref_slice %arg2[%add3A_124, %mul3A_11] : memref<16384x2048xf32, #tpu.memory_space<hbm>> -> memref<256x128xf32, #tpu.memory_space<hbm>>
    tpu.enqueue_dma source(%dma_start3A_126 : memref<256x128xf32, #tpu.memory_space<hbm>>) target(%arg6 : memref<256x128xf32, #tpu.memory_space<vmem>>) target_semaphore(%arg10 : memref<!tpu.dma_semaphore, #tpu.memory_space<semaphore_mem>>)
    %dma_wait3A_127 = tpu.memref_slice %arg2[%add3A_39, %mul3A_11] : memref<16384x2048xf32, #tpu.memory_space<hbm>> -> memref<256x128xf32, #tpu.memory_space<hbm>>
    %dma_wait3A_128 = tpu.memref_slice %arg2[%add3A_39, %mul3A_11] : memref<16384x2048xf32, #tpu.memory_space<hbm>> -> memref<256x128xf32, #tpu.memory_space<hbm>>
    tpu.wait_dma2 semaphore(%arg9 : memref<!tpu.dma_semaphore, #tpu.memory_space<semaphore_mem>>) src(%dma_wait3A_128 : memref<256x128xf32, #tpu.memory_space<hbm>>) dst(%arg5 : memref<256x128xf32, #tpu.memory_space<vmem>>)
    %scan3A_129 = arith.constant 0 : i32
    %scan3A_130 = arith.constant 256 : i32
    %scan3A_131 = arith.addi %scan3A_129, %scan3A_130 : i32
    %scan3A_132 = arith.constant 1 : i32
    %scan3A_133:17 = scf.for %scan3A_412 = %scan3A_129 to %scan3A_131 step %scan3A_132 iter_args(%scan3A_413 = %scan3A_121#0, %scan3A_414 = %scan3A_121#1, %scan3A_415 = %scan3A_121#2, %scan3A_416 = %scan3A_121#3, %scan3A_417 = %scan3A_121#4, %scan3A_418 = %scan3A_121#5, %scan3A_419 = %scan3A_121#6, %scan3A_420 = %scan3A_121#7, %scan3A_421 = %scan3A_121#8, %scan3A_422 = %scan3A_121#9, %scan3A_423 = %scan3A_121#10, %scan3A_424 = %scan3A_121#11, %scan3A_425 = %scan3A_121#12, %scan3A_426 = %scan3A_121#13, %scan3A_427 = %scan3A_121#14, %scan3A_428 = %scan3A_121#15, %scan3A_429 = %scan3A_121#16) -> (vector<16xf32>, vector<16xf32>, vector<16xf32>, vector<16xf32>, vector<16xf32>, vector<16xf32>, vector<16xf32>, vector<16xf32>, vector<16xi32>, vector<16xi32>, vector<16xi32>, vector<16xi32>, vector<16xi32>, vector<16xi32>, vector<16xi32>, vector<16xi32>, vector<16xi32>)  : i32 {
      %get3A = arith.index_cast %scan3A_412 : i32 to index
      %get3A_430 = arith.constant 0 : index
      %get3A_431 = tpu.vector_load %arg5[%get3A, %get3A_430] {strides = array<i32>} : memref<256x128xf32, #tpu.memory_space<vmem>>, vector<1x16xf32>,
      %get3A_432 = vector.shape_cast %get3A_431 : vector<1x16xf32> to vector<16xf32>
      %lt3A_433 = arith.cmpf olt, %get3A_432, %scan3A_413 : vector<16xf32>
      %select_n3A_434 = arith.select %lt3A_433, %get3A_432, %scan3A_413 : vector<16xi1>, vector<16xf32>
      %select_n3A_435 = arith.select %lt3A_433, %scan3A_429, %scan3A_421 : vector<16xi1>, vector<16xi32>
      %get3A_436 = arith.index_cast %scan3A_412 : i32 to index
      %get3A_437 = arith.constant 16 : index
      %get3A_438 = tpu.vector_load %arg5[%get3A_436, %get3A_437] {strides = array<i32>} : memref<256x128xf32, #tpu.memory_space<vmem>>, vector<1x16xf32>,
      %get3A_439 = vector.shape_cast %get3A_438 : vector<1x16xf32> to vector<16xf32>
      %lt3A_440 = arith.cmpf olt, %get3A_439, %scan3A_414 : vector<16xf32>
      %select_n3A_441 = arith.select %lt3A_440, %get3A_439, %scan3A_414 : vector<16xi1>, vector<16xf32>
      %select_n3A_442 = arith.select %lt3A_440, %scan3A_429, %scan3A_422 : vector<16xi1>, vector<16xi32>
      %get3A_443 = arith.index_cast %scan3A_412 : i32 to index
      %get3A_444 = arith.constant 32 : index
      %get3A_445 = tpu.vector_load %arg5[%get3A_443, %get3A_444] {strides = array<i32>} : memref<256x128xf32, #tpu.memory_space<vmem>>, vector<1x16xf32>,
      %get3A_446 = vector.shape_cast %get3A_445 : vector<1x16xf32> to vector<16xf32>
      %lt3A_447 = arith.cmpf olt, %get3A_446, %scan3A_415 : vector<16xf32>
      %select_n3A_448 = arith.select %lt3A_447, %get3A_446, %scan3A_415 : vector<16xi1>, vector<16xf32>
      %select_n3A_449 = arith.select %lt3A_447, %scan3A_429, %scan3A_423 : vector<16xi1>, vector<16xi32>
      %get3A_450 = arith.index_cast %scan3A_412 : i32 to index
      %get3A_451 = arith.constant 48 : index
      %get3A_452 = tpu.vector_load %arg5[%get3A_450, %get3A_451] {strides = array<i32>} : memref<256x128xf32, #tpu.memory_space<vmem>>, vector<1x16xf32>,
      %get3A_453 = vector.shape_cast %get3A_452 : vector<1x16xf32> to vector<16xf32>
      %lt3A_454 = arith.cmpf olt, %get3A_453, %scan3A_416 : vector<16xf32>
      %select_n3A_455 = arith.select %lt3A_454, %get3A_453, %scan3A_416 : vector<16xi1>, vector<16xf32>
      %select_n3A_456 = arith.select %lt3A_454, %scan3A_429, %scan3A_424 : vector<16xi1>, vector<16xi32>
      %get3A_457 = arith.index_cast %scan3A_412 : i32 to index
      %get3A_458 = arith.constant 64 : index
      %get3A_459 = tpu.vector_load %arg5[%get3A_457, %get3A_458] {strides = array<i32>} : memref<256x128xf32, #tpu.memory_space<vmem>>, vector<1x16xf32>,
      %get3A_460 = vector.shape_cast %get3A_459 : vector<1x16xf32> to vector<16xf32>
      %lt3A_461 = arith.cmpf olt, %get3A_460, %scan3A_417 : vector<16xf32>
      %select_n3A_462 = arith.select %lt3A_461, %get3A_460, %scan3A_417 : vector<16xi1>, vector<16xf32>
      %select_n3A_463 = arith.select %lt3A_461, %scan3A_429, %scan3A_425 : vector<16xi1>, vector<16xi32>
      %get3A_464 = arith.index_cast %scan3A_412 : i32 to index
      %get3A_465 = arith.constant 80 : index
      %get3A_466 = tpu.vector_load %arg5[%get3A_464, %get3A_465] {strides = array<i32>} : memref<256x128xf32, #tpu.memory_space<vmem>>, vector<1x16xf32>,
      %get3A_467 = vector.shape_cast %get3A_466 : vector<1x16xf32> to vector<16xf32>
      %lt3A_468 = arith.cmpf olt, %get3A_467, %scan3A_418 : vector<16xf32>
      %select_n3A_469 = arith.select %lt3A_468, %get3A_467, %scan3A_418 : vector<16xi1>, vector<16xf32>
      %select_n3A_470 = arith.select %lt3A_468, %scan3A_429, %scan3A_426 : vector<16xi1>, vector<16xi32>
      %get3A_471 = arith.index_cast %scan3A_412 : i32 to index
      %get3A_472 = arith.constant 96 : index
      %get3A_473 = tpu.vector_load %arg5[%get3A_471, %get3A_472] {strides = array<i32>} : memref<256x128xf32, #tpu.memory_space<vmem>>, vector<1x16xf32>,
      %get3A_474 = vector.shape_cast %get3A_473 : vector<1x16xf32> to vector<16xf32>
      %lt3A_475 = arith.cmpf olt, %get3A_474, %scan3A_419 : vector<16xf32>
      %select_n3A_476 = arith.select %lt3A_475, %get3A_474, %scan3A_419 : vector<16xi1>, vector<16xf32>
      %select_n3A_477 = arith.select %lt3A_475, %scan3A_429, %scan3A_427 : vector<16xi1>, vector<16xi32>
      %get3A_478 = arith.index_cast %scan3A_412 : i32 to index
      %get3A_479 = arith.constant 112 : index
      %get3A_480 = tpu.vector_load %arg5[%get3A_478, %get3A_479] {strides = array<i32>} : memref<256x128xf32, #tpu.memory_space<vmem>>, vector<1x16xf32>,
      %get3A_481 = vector.shape_cast %get3A_480 : vector<1x16xf32> to vector<16xf32>
      %lt3A_482 = arith.cmpf olt, %get3A_481, %scan3A_420 : vector<16xf32>
      %select_n3A_483 = arith.select %lt3A_482, %get3A_481, %scan3A_420 : vector<16xi1>, vector<16xf32>
      %select_n3A_484 = arith.select %lt3A_482, %scan3A_429, %scan3A_428 : vector<16xi1>, vector<16xi32>
      %add3A_485 = arith.addi %scan3A_429, %broadcast_in_dim3A_12 : vector<16xi32>
      scf.yield %select_n3A_434, %select_n3A_441, %select_n3A_448, %select_n3A_455, %select_n3A_462, %select_n3A_469, %select_n3A_476, %select_n3A_483, %select_n3A_435, %select_n3A_442, %select_n3A_449, %select_n3A_456, %select_n3A_463, %select_n3A_470, %select_n3A_477, %select_n3A_484, %add3A_485 : vector<16xf32>, vector<16xf32>, vector<16xf32>, vector<16xf32>, vector<16xf32>, vector<16xf32>, vector<16xf32>, vector<16xf32>, vector<16xi32>, vector<16xi32>, vector<16xi32>, vector<16xi32>, vector<16xi32>, vector<16xi32>, vector<16xi32>, vector<16xi32>, vector<16xi32>
    }
    %scan3A_134 = arith.constant 256 : i32
    %dma_wait3A_135 = tpu.memref_slice %arg2[%add3A_39, %mul3A_11] : memref<16384x2048xf32, #tpu.memory_space<hbm>> -> memref<256x128xf32, #tpu.memory_space<hbm>>
    %dma_wait3A_136 = tpu.memref_slice %arg2[%add3A_39, %mul3A_11] : memref<16384x2048xf32, #tpu.memory_space<hbm>> -> memref<256x128xf32, #tpu.memory_space<hbm>>
    tpu.wait_dma2 semaphore(%arg10 : memref<!tpu.dma_semaphore, #tpu.memory_space<semaphore_mem>>) src(%dma_wait3A_136 : memref<256x128xf32, #tpu.memory_space<hbm>>) dst(%arg6 : memref<256x128xf32, #tpu.memory_space<vmem>>)
    %scan3A_137 = arith.constant 0 : i32
    %scan3A_138 = arith.constant 256 : i32
    %scan3A_139 = arith.addi %scan3A_137, %scan3A_138 : i32
    %scan3A_140 = arith.constant 1 : i32
    %scan3A_141:17 = scf.for %scan3A_412 = %scan3A_137 to %scan3A_139 step %scan3A_140 iter_args(%scan3A_413 = %scan3A_133#0, %scan3A_414 = %scan3A_133#1, %scan3A_415 = %scan3A_133#2, %scan3A_416 = %scan3A_133#3, %scan3A_417 = %scan3A_133#4, %scan3A_418 = %scan3A_133#5, %scan3A_419 = %scan3A_133#6, %scan3A_420 = %scan3A_133#7, %scan3A_421 = %scan3A_133#8, %scan3A_422 = %scan3A_133#9, %scan3A_423 = %scan3A_133#10, %scan3A_424 = %scan3A_133#11, %scan3A_425 = %scan3A_133#12, %scan3A_426 = %scan3A_133#13, %scan3A_427 = %scan3A_133#14, %scan3A_428 = %scan3A_133#15, %scan3A_429 = %scan3A_133#16) -> (vector<16xf32>, vector<16xf32>, vector<16xf32>, vector<16xf32>, vector<16xf32>, vector<16xf32>, vector<16xf32>, vector<16xf32>, vector<16xi32>, vector<16xi32>, vector<16xi32>, vector<16xi32>, vector<16xi32>, vector<16xi32>, vector<16xi32>, vector<16xi32>, vector<16xi32>)  : i32 {
      %get3A = arith.index_cast %scan3A_412 : i32 to index
      %get3A_430 = arith.constant 0 : index
      %get3A_431 = tpu.vector_load %arg6[%get3A, %get3A_430] {strides = array<i32>} : memref<256x128xf32, #tpu.memory_space<vmem>>, vector<1x16xf32>,
      %get3A_432 = vector.shape_cast %get3A_431 : vector<1x16xf32> to vector<16xf32>
      %lt3A_433 = arith.cmpf olt, %get3A_432, %scan3A_413 : vector<16xf32>
      %select_n3A_434 = arith.select %lt3A_433, %get3A_432, %scan3A_413 : vector<16xi1>, vector<16xf32>
      %select_n3A_435 = arith.select %lt3A_433, %scan3A_429, %scan3A_421 : vector<16xi1>, vector<16xi32>
      %get3A_436 = arith.index_cast %scan3A_412 : i32 to index
      %get3A_437 = arith.constant 16 : index
      %get3A_438 = tpu.vector_load %arg6[%get3A_436, %get3A_437] {strides = array<i32>} : memref<256x128xf32, #tpu.memory_space<vmem>>, vector<1x16xf32>,
      %get3A_439 = vector.shape_cast %get3A_438 : vector<1x16xf32> to vector<16xf32>
      %lt3A_440 = arith.cmpf olt, %get3A_439, %scan3A_414 : vector<16xf32>
      %select_n3A_441 = arith.select %lt3A_440, %get3A_439, %scan3A_414 : vector<16xi1>, vector<16xf32>
      %select_n3A_442 = arith.select %lt3A_440, %scan3A_429, %scan3A_422 : vector<16xi1>, vector<16xi32>
      %get3A_443 = arith.index_cast %scan3A_412 : i32 to index
      %get3A_444 = arith.constant 32 : index
      %get3A_445 = tpu.vector_load %arg6[%get3A_443, %get3A_444] {strides = array<i32>} : memref<256x128xf32, #tpu.memory_space<vmem>>, vector<1x16xf32>,
      %get3A_446 = vector.shape_cast %get3A_445 : vector<1x16xf32> to vector<16xf32>
      %lt3A_447 = arith.cmpf olt, %get3A_446, %scan3A_415 : vector<16xf32>
      %select_n3A_448 = arith.select %lt3A_447, %get3A_446, %scan3A_415 : vector<16xi1>, vector<16xf32>
      %select_n3A_449 = arith.select %lt3A_447, %scan3A_429, %scan3A_423 : vector<16xi1>, vector<16xi32>
      %get3A_450 = arith.index_cast %scan3A_412 : i32 to index
      %get3A_451 = arith.constant 48 : index
      %get3A_452 = tpu.vector_load %arg6[%get3A_450, %get3A_451] {strides = array<i32>} : memref<256x128xf32, #tpu.memory_space<vmem>>, vector<1x16xf32>,
      %get3A_453 = vector.shape_cast %get3A_452 : vector<1x16xf32> to vector<16xf32>
      %lt3A_454 = arith.cmpf olt, %get3A_453, %scan3A_416 : vector<16xf32>
      %select_n3A_455 = arith.select %lt3A_454, %get3A_453, %scan3A_416 : vector<16xi1>, vector<16xf32>
      %select_n3A_456 = arith.select %lt3A_454, %scan3A_429, %scan3A_424 : vector<16xi1>, vector<16xi32>
      %get3A_457 = arith.index_cast %scan3A_412 : i32 to index
      %get3A_458 = arith.constant 64 : index
      %get3A_459 = tpu.vector_load %arg6[%get3A_457, %get3A_458] {strides = array<i32>} : memref<256x128xf32, #tpu.memory_space<vmem>>, vector<1x16xf32>,
      %get3A_460 = vector.shape_cast %get3A_459 : vector<1x16xf32> to vector<16xf32>
      %lt3A_461 = arith.cmpf olt, %get3A_460, %scan3A_417 : vector<16xf32>
      %select_n3A_462 = arith.select %lt3A_461, %get3A_460, %scan3A_417 : vector<16xi1>, vector<16xf32>
      %select_n3A_463 = arith.select %lt3A_461, %scan3A_429, %scan3A_425 : vector<16xi1>, vector<16xi32>
      %get3A_464 = arith.index_cast %scan3A_412 : i32 to index
      %get3A_465 = arith.constant 80 : index
      %get3A_466 = tpu.vector_load %arg6[%get3A_464, %get3A_465] {strides = array<i32>} : memref<256x128xf32, #tpu.memory_space<vmem>>, vector<1x16xf32>,
      %get3A_467 = vector.shape_cast %get3A_466 : vector<1x16xf32> to vector<16xf32>
      %lt3A_468 = arith.cmpf olt, %get3A_467, %scan3A_418 : vector<16xf32>
      %select_n3A_469 = arith.select %lt3A_468, %get3A_467, %scan3A_418 : vector<16xi1>, vector<16xf32>
      %select_n3A_470 = arith.select %lt3A_468, %scan3A_429, %scan3A_426 : vector<16xi1>, vector<16xi32>
      %get3A_471 = arith.index_cast %scan3A_412 : i32 to index
      %get3A_472 = arith.constant 96 : index
      %get3A_473 = tpu.vector_load %arg6[%get3A_471, %get3A_472] {strides = array<i32>} : memref<256x128xf32, #tpu.memory_space<vmem>>, vector<1x16xf32>,
      %get3A_474 = vector.shape_cast %get3A_473 : vector<1x16xf32> to vector<16xf32>
      %lt3A_475 = arith.cmpf olt, %get3A_474, %scan3A_419 : vector<16xf32>
      %select_n3A_476 = arith.select %lt3A_475, %get3A_474, %scan3A_419 : vector<16xi1>, vector<16xf32>
      %select_n3A_477 = arith.select %lt3A_475, %scan3A_429, %scan3A_427 : vector<16xi1>, vector<16xi32>
      %get3A_478 = arith.index_cast %scan3A_412 : i32 to index
      %get3A_479 = arith.constant 112 : index
      %get3A_480 = tpu.vector_load %arg6[%get3A_478, %get3A_479] {strides = array<i32>} : memref<256x128xf32, #tpu.memory_space<vmem>>, vector<1x16xf32>,
      %get3A_481 = vector.shape_cast %get3A_480 : vector<1x16xf32> to vector<16xf32>
      %lt3A_482 = arith.cmpf olt, %get3A_481, %scan3A_420 : vector<16xf32>
      %select_n3A_483 = arith.select %lt3A_482, %get3A_481, %scan3A_420 : vector<16xi1>, vector<16xf32>
      %select_n3A_484 = arith.select %lt3A_482, %scan3A_429, %scan3A_428 : vector<16xi1>, vector<16xi32>
      %add3A_485 = arith.addi %scan3A_429, %broadcast_in_dim3A_12 : vector<16xi32>
      scf.yield %select_n3A_434, %select_n3A_441, %select_n3A_448, %select_n3A_455, %select_n3A_462, %select_n3A_469, %select_n3A_476, %select_n3A_483, %select_n3A_435, %select_n3A_442, %select_n3A_449, %select_n3A_456, %select_n3A_463, %select_n3A_470, %select_n3A_477, %select_n3A_484, %add3A_485 : vector<16xf32>, vector<16xf32>, vector<16xf32>, vector<16xf32>, vector<16xf32>, vector<16xf32>, vector<16xf32>, vector<16xf32>, vector<16xi32>, vector<16xi32>, vector<16xi32>, vector<16xi32>, vector<16xi32>, vector<16xi32>, vector<16xi32>, vector<16xi32>, vector<16xi32>
    }
    %scan3A_142 = arith.constant 256 : i32
    %swap3A = arith.constant 0 : index
    %swap3A_143 = tpu.vector_load %arg7[%swap3A] {strides = array<i32>} : memref<128xf32, #tpu.memory_space<vmem>>, vector<16xf32>,
    %swap3A_144 = vector.shape_cast %swap3A_143 : vector<16xf32> to vector<16xf32>
    %swap3A_145 = vector.shape_cast %scan3A_141#0 : vector<16xf32> to vector<16xf32>
    tpu.vector_store %arg7[%swap3A], %swap3A_145 {strides = array<i32>} : memref<128xf32, #tpu.memory_space<vmem>>, vector<16xf32>,
    %swap3A_146 = arith.constant 0 : index
    %swap3A_147 = tpu.vector_load %arg8[%swap3A_146] {strides = array<i32>} : memref<128xi32, #tpu.memory_space<vmem>>, vector<16xi32>,
    %swap3A_148 = vector.shape_cast %swap3A_147 : vector<16xi32> to vector<16xi32>
    %swap3A_149 = vector.shape_cast %scan3A_141#8 : vector<16xi32> to vector<16xi32>
    tpu.vector_store %arg8[%swap3A_146], %swap3A_149 {strides = array<i32>} : memref<128xi32, #tpu.memory_space<vmem>>, vector<16xi32>,
    %swap3A_150 = arith.constant 16 : index
    %swap3A_151 = tpu.vector_load %arg7[%swap3A_150] {strides = array<i32>} : memref<128xf32, #tpu.memory_space<vmem>>, vector<16xf32>,
    %swap3A_152 = vector.shape_cast %swap3A_151 : vector<16xf32> to vector<16xf32>
    %swap3A_153 = vector.shape_cast %scan3A_141#1 : vector<16xf32> to vector<16xf32>
    tpu.vector_store %arg7[%swap3A_150], %swap3A_153 {strides = array<i32>} : memref<128xf32, #tpu.memory_space<vmem>>, vector<16xf32>,
    %swap3A_154 = arith.constant 16 : index
    %swap3A_155 = tpu.vector_load %arg8[%swap3A_154] {strides = array<i32>} : memref<128xi32, #tpu.memory_space<vmem>>, vector<16xi32>,
    %swap3A_156 = vector.shape_cast %swap3A_155 : vector<16xi32> to vector<16xi32>
    %swap3A_157 = vector.shape_cast %scan3A_141#9 : vector<16xi32> to vector<16xi32>
    tpu.vector_store %arg8[%swap3A_154], %swap3A_157 {strides = array<i32>} : memref<128xi32, #tpu.memory_space<vmem>>, vector<16xi32>,
    %swap3A_158 = arith.constant 32 : index
    %swap3A_159 = tpu.vector_load %arg7[%swap3A_158] {strides = array<i32>} : memref<128xf32, #tpu.memory_space<vmem>>, vector<16xf32>,
    %swap3A_160 = vector.shape_cast %swap3A_159 : vector<16xf32> to vector<16xf32>
    %swap3A_161 = vector.shape_cast %scan3A_141#2 : vector<16xf32> to vector<16xf32>
    tpu.vector_store %arg7[%swap3A_158], %swap3A_161 {strides = array<i32>} : memref<128xf32, #tpu.memory_space<vmem>>, vector<16xf32>,
    %swap3A_162 = arith.constant 32 : index
    %swap3A_163 = tpu.vector_load %arg8[%swap3A_162] {strides = array<i32>} : memref<128xi32, #tpu.memory_space<vmem>>, vector<16xi32>,
    %swap3A_164 = vector.shape_cast %swap3A_163 : vector<16xi32> to vector<16xi32>
    %swap3A_165 = vector.shape_cast %scan3A_141#10 : vector<16xi32> to vector<16xi32>
    tpu.vector_store %arg8[%swap3A_162], %swap3A_165 {strides = array<i32>} : memref<128xi32, #tpu.memory_space<vmem>>, vector<16xi32>,
    %swap3A_166 = arith.constant 48 : index
    %swap3A_167 = tpu.vector_load %arg7[%swap3A_166] {strides = array<i32>} : memref<128xf32, #tpu.memory_space<vmem>>, vector<16xf32>,
    %swap3A_168 = vector.shape_cast %swap3A_167 : vector<16xf32> to vector<16xf32>
    %swap3A_169 = vector.shape_cast %scan3A_141#3 : vector<16xf32> to vector<16xf32>
    tpu.vector_store %arg7[%swap3A_166], %swap3A_169 {strides = array<i32>} : memref<128xf32, #tpu.memory_space<vmem>>, vector<16xf32>,
    %swap3A_170 = arith.constant 48 : index
    %swap3A_171 = tpu.vector_load %arg8[%swap3A_170] {strides = array<i32>} : memref<128xi32, #tpu.memory_space<vmem>>, vector<16xi32>,
    %swap3A_172 = vector.shape_cast %swap3A_171 : vector<16xi32> to vector<16xi32>
    %swap3A_173 = vector.shape_cast %scan3A_141#11 : vector<16xi32> to vector<16xi32>
    tpu.vector_store %arg8[%swap3A_170], %swap3A_173 {strides = array<i32>} : memref<128xi32, #tpu.memory_space<vmem>>, vector<16xi32>,
    %swap3A_174 = arith.constant 64 : index
    %swap3A_175 = tpu.vector_load %arg7[%swap3A_174] {strides = array<i32>} : memref<128xf32, #tpu.memory_space<vmem>>, vector<16xf32>,
    %swap3A_176 = vector.shape_cast %swap3A_175 : vector<16xf32> to vector<16xf32>
    %swap3A_177 = vector.shape_cast %scan3A_141#4 : vector<16xf32> to vector<16xf32>
    tpu.vector_store %arg7[%swap3A_174], %swap3A_177 {strides = array<i32>} : memref<128xf32, #tpu.memory_space<vmem>>, vector<16xf32>,
    %swap3A_178 = arith.constant 64 : index
    %swap3A_179 = tpu.vector_load %arg8[%swap3A_178] {strides = array<i32>} : memref<128xi32, #tpu.memory_space<vmem>>, vector<16xi32>,
    %swap3A_180 = vector.shape_cast %swap3A_179 : vector<16xi32> to vector<16xi32>
    %swap3A_181 = vector.shape_cast %scan3A_141#12 : vector<16xi32> to vector<16xi32>
    tpu.vector_store %arg8[%swap3A_178], %swap3A_181 {strides = array<i32>} : memref<128xi32, #tpu.memory_space<vmem>>, vector<16xi32>,
    %swap3A_182 = arith.constant 80 : index
    %swap3A_183 = tpu.vector_load %arg7[%swap3A_182] {strides = array<i32>} : memref<128xf32, #tpu.memory_space<vmem>>, vector<16xf32>,
    %swap3A_184 = vector.shape_cast %swap3A_183 : vector<16xf32> to vector<16xf32>
    %swap3A_185 = vector.shape_cast %scan3A_141#5 : vector<16xf32> to vector<16xf32>
    tpu.vector_store %arg7[%swap3A_182], %swap3A_185 {strides = array<i32>} : memref<128xf32, #tpu.memory_space<vmem>>, vector<16xf32>,
    %swap3A_186 = arith.constant 80 : index
    %swap3A_187 = tpu.vector_load %arg8[%swap3A_186] {strides = array<i32>} : memref<128xi32, #tpu.memory_space<vmem>>, vector<16xi32>,
    %swap3A_188 = vector.shape_cast %swap3A_187 : vector<16xi32> to vector<16xi32>
    %swap3A_189 = vector.shape_cast %scan3A_141#13 : vector<16xi32> to vector<16xi32>
    tpu.vector_store %arg8[%swap3A_186], %swap3A_189 {strides = array<i32>} : memref<128xi32, #tpu.memory_space<vmem>>, vector<16xi32>,
    %swap3A_190 = arith.constant 96 : index
    %swap3A_191 = tpu.vector_load %arg7[%swap3A_190] {strides = array<i32>} : memref<128xf32, #tpu.memory_space<vmem>>, vector<16xf32>,
    %swap3A_192 = vector.shape_cast %swap3A_191 : vector<16xf32> to vector<16xf32>
    %swap3A_193 = vector.shape_cast %scan3A_141#6 : vector<16xf32> to vector<16xf32>
    tpu.vector_store %arg7[%swap3A_190], %swap3A_193 {strides = array<i32>} : memref<128xf32, #tpu.memory_space<vmem>>, vector<16xf32>,
    %swap3A_194 = arith.constant 96 : index
    %swap3A_195 = tpu.vector_load %arg8[%swap3A_194] {strides = array<i32>} : memref<128xi32, #tpu.memory_space<vmem>>, vector<16xi32>,
    %swap3A_196 = vector.shape_cast %swap3A_195 : vector<16xi32> to vector<16xi32>
    %swap3A_197 = vector.shape_cast %scan3A_141#14 : vector<16xi32> to vector<16xi32>
    tpu.vector_store %arg8[%swap3A_194], %swap3A_197 {strides = array<i32>} : memref<128xi32, #tpu.memory_space<vmem>>, vector<16xi32>,
    %swap3A_198 = arith.constant 112 : index
    %swap3A_199 = tpu.vector_load %arg7[%swap3A_198] {strides = array<i32>} : memref<128xf32, #tpu.memory_space<vmem>>, vector<16xf32>,
    %swap3A_200 = vector.shape_cast %swap3A_199 : vector<16xf32> to vector<16xf32>
    %swap3A_201 = vector.shape_cast %scan3A_141#7 : vector<16xf32> to vector<16xf32>
    tpu.vector_store %arg7[%swap3A_198], %swap3A_201 {strides = array<i32>} : memref<128xf32, #tpu.memory_space<vmem>>, vector<16xf32>,
    %swap3A_202 = arith.constant 112 : index
    %swap3A_203 = tpu.vector_load %arg8[%swap3A_202] {strides = array<i32>} : memref<128xi32, #tpu.memory_space<vmem>>, vector<16xi32>,
    %swap3A_204 = vector.shape_cast %swap3A_203 : vector<16xi32> to vector<16xi32>
    %swap3A_205 = vector.shape_cast %scan3A_141#15 : vector<16xi32> to vector<16xi32>
    tpu.vector_store %arg8[%swap3A_202], %swap3A_205 {strides = array<i32>} : memref<128xi32, #tpu.memory_space<vmem>>, vector<16xi32>,
    %mul3A_206 = arith.constant 2048 : i32
    %mul3A_207 = arith.muli %add3A_35, %mul3A_206 : i32
    %add3A_208 = arith.addi %mul3A_207, %mul3A_11 : i32
    "tpu.region"() ({
      %run_scoped3A = tpu.sem_alloc : memref<!tpu.dma_semaphore, #tpu.memory_space<semaphore_mem>>
      %dma_start3A_412 = tpu.memref_slice %arg3[%add3A_208] : memref<8192xf32, #tpu.memory_space<hbm>> -> memref<128xf32, #tpu.memory_space<hbm>>
      %dma_start3A_413 = tpu.memref_slice %arg3[%add3A_208] : memref<8192xf32, #tpu.memory_space<hbm>> -> memref<128xf32, #tpu.memory_space<hbm>>
      tpu.enqueue_dma source(%arg7 : memref<128xf32, #tpu.memory_space<vmem>>) target(%dma_start3A_413 : memref<128xf32, #tpu.memory_space<hbm>>) target_semaphore(%run_scoped3A : memref<!tpu.dma_semaphore, #tpu.memory_space<semaphore_mem>>)
      %dma_wait3A_414 = tpu.memref_slice %arg3[%add3A_208] : memref<8192xf32, #tpu.memory_space<hbm>> -> memref<128xf32, #tpu.memory_space<hbm>>
      %dma_wait3A_415 = tpu.memref_slice %arg3[%add3A_208] : memref<8192xf32, #tpu.memory_space<hbm>> -> memref<128xf32, #tpu.memory_space<hbm>>
      tpu.wait_dma2 semaphore(%run_scoped3A : memref<!tpu.dma_semaphore, #tpu.memory_space<semaphore_mem>>) src(%arg7 : memref<128xf32, #tpu.memory_space<vmem>>) dst(%dma_wait3A_415 : memref<128xf32, #tpu.memory_space<hbm>>)
      tpu.yield
    }) : () -> ()
    "tpu.region"() ({
      %run_scoped3A = tpu.sem_alloc : memref<!tpu.dma_semaphore, #tpu.memory_space<semaphore_mem>>
      %dma_start3A_412 = tpu.memref_slice %arg4[%add3A_208] : memref<8192xi32, #tpu.memory_space<hbm>> -> memref<128xi32, #tpu.memory_space<hbm>>
      %dma_start3A_413 = tpu.memref_slice %arg4[%add3A_208] : memref<8192xi32, #tpu.memory_space<hbm>> -> memref<128xi32, #tpu.memory_space<hbm>>
      tpu.enqueue_dma source(%arg8 : memref<128xi32, #tpu.memory_space<vmem>>) target(%dma_start3A_413 : memref<128xi32, #tpu.memory_space<hbm>>) target_semaphore(%run_scoped3A : memref<!tpu.dma_semaphore, #tpu.memory_space<semaphore_mem>>)
      %dma_wait3A_414 = tpu.memref_slice %arg4[%add3A_208] : memref<8192xi32, #tpu.memory_space<hbm>> -> memref<128xi32, #tpu.memory_space<hbm>>
      %dma_wait3A_415 = tpu.memref_slice %arg4[%add3A_208] : memref<8192xi32, #tpu.memory_space<hbm>> -> memref<128xi32, #tpu.memory_space<hbm>>
      tpu.wait_dma2 semaphore(%run_scoped3A : memref<!tpu.dma_semaphore, #tpu.memory_space<semaphore_mem>>) src(%arg8 : memref<128xi32, #tpu.memory_space<vmem>>) dst(%dma_wait3A_415 : memref<128xi32, #tpu.memory_space<hbm>>)
      tpu.yield
    }) : () -> ()
    %jit3A_209 = arith.constant 16 : i32
    %div3A_210 = arith.divsi %add3A, %jit3A_209 : i32
    %sign3A_211 = arith.constant 0 : i32
    %sign3A_212 = arith.cmpi sgt, %add3A, %sign3A_211 : i32
    %sign3A_213 = arith.extui %sign3A_212 : i1 to i32
    %sign3A_214 = arith.constant 0 : i32
    %sign3A_215 = arith.cmpi slt, %add3A, %sign3A_214 : i32
    %sign3A_216 = arith.extui %sign3A_215 : i1 to i32
    %sign3A_217 = arith.subi %sign3A_213, %sign3A_216 : i32
    %sign3A_218 = arith.constant 0 : i32
    %sign3A_219 = arith.cmpi sgt, %jit3A_209, %sign3A_218 : i32
    %sign3A_220 = arith.extui %sign3A_219 : i1 to i32
    %sign3A_221 = arith.constant 0 : i32
    %sign3A_222 = arith.cmpi slt, %jit3A_209, %sign3A_221 : i32
    %sign3A_223 = arith.extui %sign3A_222 : i1 to i32
    %sign3A_224 = arith.subi %sign3A_220, %sign3A_223 : i32
    %ne3A_225 = arith.cmpi ne, %sign3A_217, %sign3A_224 : i32
    %rem3A_226 = arith.remsi %add3A, %jit3A_209 : i32
    %ne3A_227 = arith.constant 0 : i32
    %ne3A_228 = arith.cmpi ne, %rem3A_226, %ne3A_227 : i32
    %and3A_229 = arith.andi %ne3A_225, %ne3A_228 : i1
    %sub3A_230 = arith.constant 1 : i32
    %sub3A_231 = arith.subi %div3A_210, %sub3A_230 : i32
    %select_n3A_232 = arith.select %and3A_229, %sub3A_231, %div3A_210 : i32
    %add3A_233 = arith.constant 2 : i32
    %add3A_234 = arith.addi %select_n3A_232, %add3A_233 : i32
    %mul3A_235 = arith.constant 4096 : i32
    %mul3A_236 = arith.muli %add3A_234, %mul3A_235 : i32
    %add3A_237 = arith.constant 2560 : i32
    %add3A_238 = arith.addi %mul3A_236, %add3A_237 : i32
    %broadcast_in_dim3A_239 = arith.constant 0x7F800000 : f32
    %broadcast_in_dim3A_240 = vector.broadcast %broadcast_in_dim3A_239 : f32 to vector<16xf32>
    %broadcast_in_dim3A_241 = arith.constant 0x7F800000 : f32
    %broadcast_in_dim3A_242 = vector.broadcast %broadcast_in_dim3A_241 : f32 to vector<16xf32>
    %broadcast_in_dim3A_243 = arith.constant 0x7F800000 : f32
    %broadcast_in_dim3A_244 = vector.broadcast %broadcast_in_dim3A_243 : f32 to vector<16xf32>
    %broadcast_in_dim3A_245 = arith.constant 0x7F800000 : f32
    %broadcast_in_dim3A_246 = vector.broadcast %broadcast_in_dim3A_245 : f32 to vector<16xf32>
    %broadcast_in_dim3A_247 = arith.constant 0x7F800000 : f32
    %broadcast_in_dim3A_248 = vector.broadcast %broadcast_in_dim3A_247 : f32 to vector<16xf32>
    %broadcast_in_dim3A_249 = arith.constant 0x7F800000 : f32
    %broadcast_in_dim3A_250 = vector.broadcast %broadcast_in_dim3A_249 : f32 to vector<16xf32>
    %broadcast_in_dim3A_251 = arith.constant 0x7F800000 : f32
    %broadcast_in_dim3A_252 = vector.broadcast %broadcast_in_dim3A_251 : f32 to vector<16xf32>
    %broadcast_in_dim3A_253 = arith.constant 0x7F800000 : f32
    %broadcast_in_dim3A_254 = vector.broadcast %broadcast_in_dim3A_253 : f32 to vector<16xf32>
    %broadcast_in_dim3A_255 = arith.constant 0 : i32
    %broadcast_in_dim3A_256 = vector.broadcast %broadcast_in_dim3A_255 : i32 to vector<16xi32>
    %broadcast_in_dim3A_257 = arith.constant 0 : i32
    %broadcast_in_dim3A_258 = vector.broadcast %broadcast_in_dim3A_257 : i32 to vector<16xi32>
    %broadcast_in_dim3A_259 = arith.constant 0 : i32
    %broadcast_in_dim3A_260 = vector.broadcast %broadcast_in_dim3A_259 : i32 to vector<16xi32>
    %broadcast_in_dim3A_261 = arith.constant 0 : i32
    %broadcast_in_dim3A_262 = vector.broadcast %broadcast_in_dim3A_261 : i32 to vector<16xi32>
    %broadcast_in_dim3A_263 = arith.constant 0 : i32
    %broadcast_in_dim3A_264 = vector.broadcast %broadcast_in_dim3A_263 : i32 to vector<16xi32>
    %broadcast_in_dim3A_265 = arith.constant 0 : i32
    %broadcast_in_dim3A_266 = vector.broadcast %broadcast_in_dim3A_265 : i32 to vector<16xi32>
    %broadcast_in_dim3A_267 = arith.constant 0 : i32
    %broadcast_in_dim3A_268 = vector.broadcast %broadcast_in_dim3A_267 : i32 to vector<16xi32>
    %broadcast_in_dim3A_269 = arith.constant 0 : i32
    %broadcast_in_dim3A_270 = vector.broadcast %broadcast_in_dim3A_269 : i32 to vector<16xi32>
    %broadcast_in_dim3A_271 = arith.constant 2560 : i32
    %broadcast_in_dim3A_272 = vector.broadcast %broadcast_in_dim3A_271 : i32 to vector<16xi32>
    %add3A_273 = arith.constant 0 : i32
    %add3A_274 = arith.addi %add3A_238, %add3A_273 : i32
    %dma_start3A_275 = tpu.memref_slice %arg2[%add3A_274, %mul3A_11] : memref<16384x2048xf32, #tpu.memory_space<hbm>> -> memref<256x128xf32, #tpu.memory_space<hbm>>
    %dma_start3A_276 = tpu.memref_slice %arg2[%add3A_274, %mul3A_11] : memref<16384x2048xf32, #tpu.memory_space<hbm>> -> memref<256x128xf32, #tpu.memory_space<hbm>>
    tpu.enqueue_dma source(%dma_start3A_276 : memref<256x128xf32, #tpu.memory_space<hbm>>) target(%arg5 : memref<256x128xf32, #tpu.memory_space<vmem>>) target_semaphore(%arg9 : memref<!tpu.dma_semaphore, #tpu.memory_space<semaphore_mem>>)
    %add3A_277 = arith.constant 256 : i32
    %add3A_278 = arith.addi %add3A_238, %add3A_277 : i32
    %dma_start3A_279 = tpu.memref_slice %arg2[%add3A_278, %mul3A_11] : memref<16384x2048xf32, #tpu.memory_space<hbm>> -> memref<256x128xf32, #tpu.memory_space<hbm>>
    %dma_start3A_280 = tpu.memref_slice %arg2[%add3A_278, %mul3A_11] : memref<16384x2048xf32, #tpu.memory_space<hbm>> -> memref<256x128xf32, #tpu.memory_space<hbm>>
    tpu.enqueue_dma source(%dma_start3A_280 : memref<256x128xf32, #tpu.memory_space<hbm>>) target(%arg6 : memref<256x128xf32, #tpu.memory_space<vmem>>) target_semaphore(%arg10 : memref<!tpu.dma_semaphore, #tpu.memory_space<semaphore_mem>>)
    %dma_wait3A_281 = tpu.memref_slice %arg2[%add3A_238, %mul3A_11] : memref<16384x2048xf32, #tpu.memory_space<hbm>> -> memref<256x128xf32, #tpu.memory_space<hbm>>
    %dma_wait3A_282 = tpu.memref_slice %arg2[%add3A_238, %mul3A_11] : memref<16384x2048xf32, #tpu.memory_space<hbm>> -> memref<256x128xf32, #tpu.memory_space<hbm>>
    tpu.wait_dma2 semaphore(%arg9 : memref<!tpu.dma_semaphore, #tpu.memory_space<semaphore_mem>>) src(%dma_wait3A_282 : memref<256x128xf32, #tpu.memory_space<hbm>>) dst(%arg5 : memref<256x128xf32, #tpu.memory_space<vmem>>)
    %scan3A_283 = arith.constant 0 : i32
    %scan3A_284 = arith.constant 256 : i32
    %scan3A_285 = arith.addi %scan3A_283, %scan3A_284 : i32
    %scan3A_286 = arith.constant 1 : i32
    %scan3A_287:17 = scf.for %scan3A_412 = %scan3A_283 to %scan3A_285 step %scan3A_286 iter_args(%scan3A_413 = %broadcast_in_dim3A_240, %scan3A_414 = %broadcast_in_dim3A_242, %scan3A_415 = %broadcast_in_dim3A_244, %scan3A_416 = %broadcast_in_dim3A_246, %scan3A_417 = %broadcast_in_dim3A_248, %scan3A_418 = %broadcast_in_dim3A_250, %scan3A_419 = %broadcast_in_dim3A_252, %scan3A_420 = %broadcast_in_dim3A_254, %scan3A_421 = %broadcast_in_dim3A_256, %scan3A_422 = %broadcast_in_dim3A_258, %scan3A_423 = %broadcast_in_dim3A_260, %scan3A_424 = %broadcast_in_dim3A_262, %scan3A_425 = %broadcast_in_dim3A_264, %scan3A_426 = %broadcast_in_dim3A_266, %scan3A_427 = %broadcast_in_dim3A_268, %scan3A_428 = %broadcast_in_dim3A_270, %scan3A_429 = %broadcast_in_dim3A_272) -> (vector<16xf32>, vector<16xf32>, vector<16xf32>, vector<16xf32>, vector<16xf32>, vector<16xf32>, vector<16xf32>, vector<16xf32>, vector<16xi32>, vector<16xi32>, vector<16xi32>, vector<16xi32>, vector<16xi32>, vector<16xi32>, vector<16xi32>, vector<16xi32>, vector<16xi32>)  : i32 {
      %get3A = arith.index_cast %scan3A_412 : i32 to index
      %get3A_430 = arith.constant 0 : index
      %get3A_431 = tpu.vector_load %arg5[%get3A, %get3A_430] {strides = array<i32>} : memref<256x128xf32, #tpu.memory_space<vmem>>, vector<1x16xf32>,
      %get3A_432 = vector.shape_cast %get3A_431 : vector<1x16xf32> to vector<16xf32>
      %lt3A_433 = arith.cmpf olt, %get3A_432, %scan3A_413 : vector<16xf32>
      %select_n3A_434 = arith.select %lt3A_433, %get3A_432, %scan3A_413 : vector<16xi1>, vector<16xf32>
      %select_n3A_435 = arith.select %lt3A_433, %scan3A_429, %scan3A_421 : vector<16xi1>, vector<16xi32>
      %get3A_436 = arith.index_cast %scan3A_412 : i32 to index
      %get3A_437 = arith.constant 16 : index
      %get3A_438 = tpu.vector_load %arg5[%get3A_436, %get3A_437] {strides = array<i32>} : memref<256x128xf32, #tpu.memory_space<vmem>>, vector<1x16xf32>,
      %get3A_439 = vector.shape_cast %get3A_438 : vector<1x16xf32> to vector<16xf32>
      %lt3A_440 = arith.cmpf olt, %get3A_439, %scan3A_414 : vector<16xf32>
      %select_n3A_441 = arith.select %lt3A_440, %get3A_439, %scan3A_414 : vector<16xi1>, vector<16xf32>
      %select_n3A_442 = arith.select %lt3A_440, %scan3A_429, %scan3A_422 : vector<16xi1>, vector<16xi32>
      %get3A_443 = arith.index_cast %scan3A_412 : i32 to index
      %get3A_444 = arith.constant 32 : index
      %get3A_445 = tpu.vector_load %arg5[%get3A_443, %get3A_444] {strides = array<i32>} : memref<256x128xf32, #tpu.memory_space<vmem>>, vector<1x16xf32>,
      %get3A_446 = vector.shape_cast %get3A_445 : vector<1x16xf32> to vector<16xf32>
      %lt3A_447 = arith.cmpf olt, %get3A_446, %scan3A_415 : vector<16xf32>
      %select_n3A_448 = arith.select %lt3A_447, %get3A_446, %scan3A_415 : vector<16xi1>, vector<16xf32>
      %select_n3A_449 = arith.select %lt3A_447, %scan3A_429, %scan3A_423 : vector<16xi1>, vector<16xi32>
      %get3A_450 = arith.index_cast %scan3A_412 : i32 to index
      %get3A_451 = arith.constant 48 : index
      %get3A_452 = tpu.vector_load %arg5[%get3A_450, %get3A_451] {strides = array<i32>} : memref<256x128xf32, #tpu.memory_space<vmem>>, vector<1x16xf32>,
      %get3A_453 = vector.shape_cast %get3A_452 : vector<1x16xf32> to vector<16xf32>
      %lt3A_454 = arith.cmpf olt, %get3A_453, %scan3A_416 : vector<16xf32>
      %select_n3A_455 = arith.select %lt3A_454, %get3A_453, %scan3A_416 : vector<16xi1>, vector<16xf32>
      %select_n3A_456 = arith.select %lt3A_454, %scan3A_429, %scan3A_424 : vector<16xi1>, vector<16xi32>
      %get3A_457 = arith.index_cast %scan3A_412 : i32 to index
      %get3A_458 = arith.constant 64 : index
      %get3A_459 = tpu.vector_load %arg5[%get3A_457, %get3A_458] {strides = array<i32>} : memref<256x128xf32, #tpu.memory_space<vmem>>, vector<1x16xf32>,
      %get3A_460 = vector.shape_cast %get3A_459 : vector<1x16xf32> to vector<16xf32>
      %lt3A_461 = arith.cmpf olt, %get3A_460, %scan3A_417 : vector<16xf32>
      %select_n3A_462 = arith.select %lt3A_461, %get3A_460, %scan3A_417 : vector<16xi1>, vector<16xf32>
      %select_n3A_463 = arith.select %lt3A_461, %scan3A_429, %scan3A_425 : vector<16xi1>, vector<16xi32>
      %get3A_464 = arith.index_cast %scan3A_412 : i32 to index
      %get3A_465 = arith.constant 80 : index
      %get3A_466 = tpu.vector_load %arg5[%get3A_464, %get3A_465] {strides = array<i32>} : memref<256x128xf32, #tpu.memory_space<vmem>>, vector<1x16xf32>,
      %get3A_467 = vector.shape_cast %get3A_466 : vector<1x16xf32> to vector<16xf32>
      %lt3A_468 = arith.cmpf olt, %get3A_467, %scan3A_418 : vector<16xf32>
      %select_n3A_469 = arith.select %lt3A_468, %get3A_467, %scan3A_418 : vector<16xi1>, vector<16xf32>
      %select_n3A_470 = arith.select %lt3A_468, %scan3A_429, %scan3A_426 : vector<16xi1>, vector<16xi32>
      %get3A_471 = arith.index_cast %scan3A_412 : i32 to index
      %get3A_472 = arith.constant 96 : index
      %get3A_473 = tpu.vector_load %arg5[%get3A_471, %get3A_472] {strides = array<i32>} : memref<256x128xf32, #tpu.memory_space<vmem>>, vector<1x16xf32>,
      %get3A_474 = vector.shape_cast %get3A_473 : vector<1x16xf32> to vector<16xf32>
      %lt3A_475 = arith.cmpf olt, %get3A_474, %scan3A_419 : vector<16xf32>
      %select_n3A_476 = arith.select %lt3A_475, %get3A_474, %scan3A_419 : vector<16xi1>, vector<16xf32>
      %select_n3A_477 = arith.select %lt3A_475, %scan3A_429, %scan3A_427 : vector<16xi1>, vector<16xi32>
      %get3A_478 = arith.index_cast %scan3A_412 : i32 to index
      %get3A_479 = arith.constant 112 : index
      %get3A_480 = tpu.vector_load %arg5[%get3A_478, %get3A_479] {strides = array<i32>} : memref<256x128xf32, #tpu.memory_space<vmem>>, vector<1x16xf32>,
      %get3A_481 = vector.shape_cast %get3A_480 : vector<1x16xf32> to vector<16xf32>
      %lt3A_482 = arith.cmpf olt, %get3A_481, %scan3A_420 : vector<16xf32>
      %select_n3A_483 = arith.select %lt3A_482, %get3A_481, %scan3A_420 : vector<16xi1>, vector<16xf32>
      %select_n3A_484 = arith.select %lt3A_482, %scan3A_429, %scan3A_428 : vector<16xi1>, vector<16xi32>
      %add3A_485 = arith.addi %scan3A_429, %broadcast_in_dim3A_12 : vector<16xi32>
      scf.yield %select_n3A_434, %select_n3A_441, %select_n3A_448, %select_n3A_455, %select_n3A_462, %select_n3A_469, %select_n3A_476, %select_n3A_483, %select_n3A_435, %select_n3A_442, %select_n3A_449, %select_n3A_456, %select_n3A_463, %select_n3A_470, %select_n3A_477, %select_n3A_484, %add3A_485 : vector<16xf32>, vector<16xf32>, vector<16xf32>, vector<16xf32>, vector<16xf32>, vector<16xf32>, vector<16xf32>, vector<16xf32>, vector<16xi32>, vector<16xi32>, vector<16xi32>, vector<16xi32>, vector<16xi32>, vector<16xi32>, vector<16xi32>, vector<16xi32>, vector<16xi32>
    }
    %scan3A_288 = arith.constant 256 : i32
    %add3A_289 = arith.constant 512 : i32
    %add3A_290 = arith.addi %add3A_238, %add3A_289 : i32
    %dma_start3A_291 = tpu.memref_slice %arg2[%add3A_290, %mul3A_11] : memref<16384x2048xf32, #tpu.memory_space<hbm>> -> memref<256x128xf32, #tpu.memory_space<hbm>>
    %dma_start3A_292 = tpu.memref_slice %arg2[%add3A_290, %mul3A_11] : memref<16384x2048xf32, #tpu.memory_space<hbm>> -> memref<256x128xf32, #tpu.memory_space<hbm>>
    tpu.enqueue_dma source(%dma_start3A_292 : memref<256x128xf32, #tpu.memory_space<hbm>>) target(%arg5 : memref<256x128xf32, #tpu.memory_space<vmem>>) target_semaphore(%arg9 : memref<!tpu.dma_semaphore, #tpu.memory_space<semaphore_mem>>)
    %dma_wait3A_293 = tpu.memref_slice %arg2[%add3A_238, %mul3A_11] : memref<16384x2048xf32, #tpu.memory_space<hbm>> -> memref<256x128xf32, #tpu.memory_space<hbm>>
    %dma_wait3A_294 = tpu.memref_slice %arg2[%add3A_238, %mul3A_11] : memref<16384x2048xf32, #tpu.memory_space<hbm>> -> memref<256x128xf32, #tpu.memory_space<hbm>>
    tpu.wait_dma2 semaphore(%arg10 : memref<!tpu.dma_semaphore, #tpu.memory_space<semaphore_mem>>) src(%dma_wait3A_294 : memref<256x128xf32, #tpu.memory_space<hbm>>) dst(%arg6 : memref<256x128xf32, #tpu.memory_space<vmem>>)
    %scan3A_295 = arith.constant 0 : i32
    %scan3A_296 = arith.constant 256 : i32
    %scan3A_297 = arith.addi %scan3A_295, %scan3A_296 : i32
    %scan3A_298 = arith.constant 1 : i32
    %scan3A_299:17 = scf.for %scan3A_412 = %scan3A_295 to %scan3A_297 step %scan3A_298 iter_args(%scan3A_413 = %scan3A_287#0, %scan3A_414 = %scan3A_287#1, %scan3A_415 = %scan3A_287#2, %scan3A_416 = %scan3A_287#3, %scan3A_417 = %scan3A_287#4, %scan3A_418 = %scan3A_287#5, %scan3A_419 = %scan3A_287#6, %scan3A_420 = %scan3A_287#7, %scan3A_421 = %scan3A_287#8, %scan3A_422 = %scan3A_287#9, %scan3A_423 = %scan3A_287#10, %scan3A_424 = %scan3A_287#11, %scan3A_425 = %scan3A_287#12, %scan3A_426 = %scan3A_287#13, %scan3A_427 = %scan3A_287#14, %scan3A_428 = %scan3A_287#15, %scan3A_429 = %scan3A_287#16) -> (vector<16xf32>, vector<16xf32>, vector<16xf32>, vector<16xf32>, vector<16xf32>, vector<16xf32>, vector<16xf32>, vector<16xf32>, vector<16xi32>, vector<16xi32>, vector<16xi32>, vector<16xi32>, vector<16xi32>, vector<16xi32>, vector<16xi32>, vector<16xi32>, vector<16xi32>)  : i32 {
      %get3A = arith.index_cast %scan3A_412 : i32 to index
      %get3A_430 = arith.constant 0 : index
      %get3A_431 = tpu.vector_load %arg6[%get3A, %get3A_430] {strides = array<i32>} : memref<256x128xf32, #tpu.memory_space<vmem>>, vector<1x16xf32>,
      %get3A_432 = vector.shape_cast %get3A_431 : vector<1x16xf32> to vector<16xf32>
      %lt3A_433 = arith.cmpf olt, %get3A_432, %scan3A_413 : vector<16xf32>
      %select_n3A_434 = arith.select %lt3A_433, %get3A_432, %scan3A_413 : vector<16xi1>, vector<16xf32>
      %select_n3A_435 = arith.select %lt3A_433, %scan3A_429, %scan3A_421 : vector<16xi1>, vector<16xi32>
      %get3A_436 = arith.index_cast %scan3A_412 : i32 to index
      %get3A_437 = arith.constant 16 : index
      %get3A_438 = tpu.vector_load %arg6[%get3A_436, %get3A_437] {strides = array<i32>} : memref<256x128xf32, #tpu.memory_space<vmem>>, vector<1x16xf32>,
      %get3A_439 = vector.shape_cast %get3A_438 : vector<1x16xf32> to vector<16xf32>
      %lt3A_440 = arith.cmpf olt, %get3A_439, %scan3A_414 : vector<16xf32>
      %select_n3A_441 = arith.select %lt3A_440, %get3A_439, %scan3A_414 : vector<16xi1>, vector<16xf32>
      %select_n3A_442 = arith.select %lt3A_440, %scan3A_429, %scan3A_422 : vector<16xi1>, vector<16xi32>
      %get3A_443 = arith.index_cast %scan3A_412 : i32 to index
      %get3A_444 = arith.constant 32 : index
      %get3A_445 = tpu.vector_load %arg6[%get3A_443, %get3A_444] {strides = array<i32>} : memref<256x128xf32, #tpu.memory_space<vmem>>, vector<1x16xf32>,
      %get3A_446 = vector.shape_cast %get3A_445 : vector<1x16xf32> to vector<16xf32>
      %lt3A_447 = arith.cmpf olt, %get3A_446, %scan3A_415 : vector<16xf32>
      %select_n3A_448 = arith.select %lt3A_447, %get3A_446, %scan3A_415 : vector<16xi1>, vector<16xf32>
      %select_n3A_449 = arith.select %lt3A_447, %scan3A_429, %scan3A_423 : vector<16xi1>, vector<16xi32>
      %get3A_450 = arith.index_cast %scan3A_412 : i32 to index
      %get3A_451 = arith.constant 48 : index
      %get3A_452 = tpu.vector_load %arg6[%get3A_450, %get3A_451] {strides = array<i32>} : memref<256x128xf32, #tpu.memory_space<vmem>>, vector<1x16xf32>,
      %get3A_453 = vector.shape_cast %get3A_452 : vector<1x16xf32> to vector<16xf32>
      %lt3A_454 = arith.cmpf olt, %get3A_453, %scan3A_416 : vector<16xf32>
      %select_n3A_455 = arith.select %lt3A_454, %get3A_453, %scan3A_416 : vector<16xi1>, vector<16xf32>
      %select_n3A_456 = arith.select %lt3A_454, %scan3A_429, %scan3A_424 : vector<16xi1>, vector<16xi32>
      %get3A_457 = arith.index_cast %scan3A_412 : i32 to index
      %get3A_458 = arith.constant 64 : index
      %get3A_459 = tpu.vector_load %arg6[%get3A_457, %get3A_458] {strides = array<i32>} : memref<256x128xf32, #tpu.memory_space<vmem>>, vector<1x16xf32>,
      %get3A_460 = vector.shape_cast %get3A_459 : vector<1x16xf32> to vector<16xf32>
      %lt3A_461 = arith.cmpf olt, %get3A_460, %scan3A_417 : vector<16xf32>
      %select_n3A_462 = arith.select %lt3A_461, %get3A_460, %scan3A_417 : vector<16xi1>, vector<16xf32>
      %select_n3A_463 = arith.select %lt3A_461, %scan3A_429, %scan3A_425 : vector<16xi1>, vector<16xi32>
      %get3A_464 = arith.index_cast %scan3A_412 : i32 to index
      %get3A_465 = arith.constant 80 : index
      %get3A_466 = tpu.vector_load %arg6[%get3A_464, %get3A_465] {strides = array<i32>} : memref<256x128xf32, #tpu.memory_space<vmem>>, vector<1x16xf32>,
      %get3A_467 = vector.shape_cast %get3A_466 : vector<1x16xf32> to vector<16xf32>
      %lt3A_468 = arith.cmpf olt, %get3A_467, %scan3A_418 : vector<16xf32>
      %select_n3A_469 = arith.select %lt3A_468, %get3A_467, %scan3A_418 : vector<16xi1>, vector<16xf32>
      %select_n3A_470 = arith.select %lt3A_468, %scan3A_429, %scan3A_426 : vector<16xi1>, vector<16xi32>
      %get3A_471 = arith.index_cast %scan3A_412 : i32 to index
      %get3A_472 = arith.constant 96 : index
      %get3A_473 = tpu.vector_load %arg6[%get3A_471, %get3A_472] {strides = array<i32>} : memref<256x128xf32, #tpu.memory_space<vmem>>, vector<1x16xf32>,
      %get3A_474 = vector.shape_cast %get3A_473 : vector<1x16xf32> to vector<16xf32>
      %lt3A_475 = arith.cmpf olt, %get3A_474, %scan3A_419 : vector<16xf32>
      %select_n3A_476 = arith.select %lt3A_475, %get3A_474, %scan3A_419 : vector<16xi1>, vector<16xf32>
      %select_n3A_477 = arith.select %lt3A_475, %scan3A_429, %scan3A_427 : vector<16xi1>, vector<16xi32>
      %get3A_478 = arith.index_cast %scan3A_412 : i32 to index
      %get3A_479 = arith.constant 112 : index
      %get3A_480 = tpu.vector_load %arg6[%get3A_478, %get3A_479] {strides = array<i32>} : memref<256x128xf32, #tpu.memory_space<vmem>>, vector<1x16xf32>,
      %get3A_481 = vector.shape_cast %get3A_480 : vector<1x16xf32> to vector<16xf32>
      %lt3A_482 = arith.cmpf olt, %get3A_481, %scan3A_420 : vector<16xf32>
      %select_n3A_483 = arith.select %lt3A_482, %get3A_481, %scan3A_420 : vector<16xi1>, vector<16xf32>
      %select_n3A_484 = arith.select %lt3A_482, %scan3A_429, %scan3A_428 : vector<16xi1>, vector<16xi32>
      %add3A_485 = arith.addi %scan3A_429, %broadcast_in_dim3A_12 : vector<16xi32>
      scf.yield %select_n3A_434, %select_n3A_441, %select_n3A_448, %select_n3A_455, %select_n3A_462, %select_n3A_469, %select_n3A_476, %select_n3A_483, %select_n3A_435, %select_n3A_442, %select_n3A_449, %select_n3A_456, %select_n3A_463, %select_n3A_470, %select_n3A_477, %select_n3A_484, %add3A_485 : vector<16xf32>, vector<16xf32>, vector<16xf32>, vector<16xf32>, vector<16xf32>, vector<16xf32>, vector<16xf32>, vector<16xf32>, vector<16xi32>, vector<16xi32>, vector<16xi32>, vector<16xi32>, vector<16xi32>, vector<16xi32>, vector<16xi32>, vector<16xi32>, vector<16xi32>
    }
    %scan3A_300 = arith.constant 256 : i32
    %add3A_301 = arith.constant 768 : i32
    %add3A_302 = arith.addi %add3A_238, %add3A_301 : i32
    %dma_start3A_303 = tpu.memref_slice %arg2[%add3A_302, %mul3A_11] : memref<16384x2048xf32, #tpu.memory_space<hbm>> -> memref<256x128xf32, #tpu.memory_space<hbm>>
    %dma_start3A_304 = tpu.memref_slice %arg2[%add3A_302, %mul3A_11] : memref<16384x2048xf32, #tpu.memory_space<hbm>> -> memref<256x128xf32, #tpu.memory_space<hbm>>
    tpu.enqueue_dma source(%dma_start3A_304 : memref<256x128xf32, #tpu.memory_space<hbm>>) target(%arg6 : memref<256x128xf32, #tpu.memory_space<vmem>>) target_semaphore(%arg10 : memref<!tpu.dma_semaphore, #tpu.memory_space<semaphore_mem>>)
    %dma_wait3A_305 = tpu.memref_slice %arg2[%add3A_238, %mul3A_11] : memref<16384x2048xf32, #tpu.memory_space<hbm>> -> memref<256x128xf32, #tpu.memory_space<hbm>>
    %dma_wait3A_306 = tpu.memref_slice %arg2[%add3A_238, %mul3A_11] : memref<16384x2048xf32, #tpu.memory_space<hbm>> -> memref<256x128xf32, #tpu.memory_space<hbm>>
    tpu.wait_dma2 semaphore(%arg9 : memref<!tpu.dma_semaphore, #tpu.memory_space<semaphore_mem>>) src(%dma_wait3A_306 : memref<256x128xf32, #tpu.memory_space<hbm>>) dst(%arg5 : memref<256x128xf32, #tpu.memory_space<vmem>>)
    %scan3A_307 = arith.constant 0 : i32
    %scan3A_308 = arith.constant 256 : i32
    %scan3A_309 = arith.addi %scan3A_307, %scan3A_308 : i32
    %scan3A_310 = arith.constant 1 : i32
    %scan3A_311:17 = scf.for %scan3A_412 = %scan3A_307 to %scan3A_309 step %scan3A_310 iter_args(%scan3A_413 = %scan3A_299#0, %scan3A_414 = %scan3A_299#1, %scan3A_415 = %scan3A_299#2, %scan3A_416 = %scan3A_299#3, %scan3A_417 = %scan3A_299#4, %scan3A_418 = %scan3A_299#5, %scan3A_419 = %scan3A_299#6, %scan3A_420 = %scan3A_299#7, %scan3A_421 = %scan3A_299#8, %scan3A_422 = %scan3A_299#9, %scan3A_423 = %scan3A_299#10, %scan3A_424 = %scan3A_299#11, %scan3A_425 = %scan3A_299#12, %scan3A_426 = %scan3A_299#13, %scan3A_427 = %scan3A_299#14, %scan3A_428 = %scan3A_299#15, %scan3A_429 = %scan3A_299#16) -> (vector<16xf32>, vector<16xf32>, vector<16xf32>, vector<16xf32>, vector<16xf32>, vector<16xf32>, vector<16xf32>, vector<16xf32>, vector<16xi32>, vector<16xi32>, vector<16xi32>, vector<16xi32>, vector<16xi32>, vector<16xi32>, vector<16xi32>, vector<16xi32>, vector<16xi32>)  : i32 {
      %get3A = arith.index_cast %scan3A_412 : i32 to index
      %get3A_430 = arith.constant 0 : index
      %get3A_431 = tpu.vector_load %arg5[%get3A, %get3A_430] {strides = array<i32>} : memref<256x128xf32, #tpu.memory_space<vmem>>, vector<1x16xf32>,
      %get3A_432 = vector.shape_cast %get3A_431 : vector<1x16xf32> to vector<16xf32>
      %lt3A_433 = arith.cmpf olt, %get3A_432, %scan3A_413 : vector<16xf32>
      %select_n3A_434 = arith.select %lt3A_433, %get3A_432, %scan3A_413 : vector<16xi1>, vector<16xf32>
      %select_n3A_435 = arith.select %lt3A_433, %scan3A_429, %scan3A_421 : vector<16xi1>, vector<16xi32>
      %get3A_436 = arith.index_cast %scan3A_412 : i32 to index
      %get3A_437 = arith.constant 16 : index
      %get3A_438 = tpu.vector_load %arg5[%get3A_436, %get3A_437] {strides = array<i32>} : memref<256x128xf32, #tpu.memory_space<vmem>>, vector<1x16xf32>,
      %get3A_439 = vector.shape_cast %get3A_438 : vector<1x16xf32> to vector<16xf32>
      %lt3A_440 = arith.cmpf olt, %get3A_439, %scan3A_414 : vector<16xf32>
      %select_n3A_441 = arith.select %lt3A_440, %get3A_439, %scan3A_414 : vector<16xi1>, vector<16xf32>
      %select_n3A_442 = arith.select %lt3A_440, %scan3A_429, %scan3A_422 : vector<16xi1>, vector<16xi32>
      %get3A_443 = arith.index_cast %scan3A_412 : i32 to index
      %get3A_444 = arith.constant 32 : index
      %get3A_445 = tpu.vector_load %arg5[%get3A_443, %get3A_444] {strides = array<i32>} : memref<256x128xf32, #tpu.memory_space<vmem>>, vector<1x16xf32>,
      %get3A_446 = vector.shape_cast %get3A_445 : vector<1x16xf32> to vector<16xf32>
      %lt3A_447 = arith.cmpf olt, %get3A_446, %scan3A_415 : vector<16xf32>
      %select_n3A_448 = arith.select %lt3A_447, %get3A_446, %scan3A_415 : vector<16xi1>, vector<16xf32>
      %select_n3A_449 = arith.select %lt3A_447, %scan3A_429, %scan3A_423 : vector<16xi1>, vector<16xi32>
      %get3A_450 = arith.index_cast %scan3A_412 : i32 to index
      %get3A_451 = arith.constant 48 : index
      %get3A_452 = tpu.vector_load %arg5[%get3A_450, %get3A_451] {strides = array<i32>} : memref<256x128xf32, #tpu.memory_space<vmem>>, vector<1x16xf32>,
      %get3A_453 = vector.shape_cast %get3A_452 : vector<1x16xf32> to vector<16xf32>
      %lt3A_454 = arith.cmpf olt, %get3A_453, %scan3A_416 : vector<16xf32>
      %select_n3A_455 = arith.select %lt3A_454, %get3A_453, %scan3A_416 : vector<16xi1>, vector<16xf32>
      %select_n3A_456 = arith.select %lt3A_454, %scan3A_429, %scan3A_424 : vector<16xi1>, vector<16xi32>
      %get3A_457 = arith.index_cast %scan3A_412 : i32 to index
      %get3A_458 = arith.constant 64 : index
      %get3A_459 = tpu.vector_load %arg5[%get3A_457, %get3A_458] {strides = array<i32>} : memref<256x128xf32, #tpu.memory_space<vmem>>, vector<1x16xf32>,
      %get3A_460 = vector.shape_cast %get3A_459 : vector<1x16xf32> to vector<16xf32>
      %lt3A_461 = arith.cmpf olt, %get3A_460, %scan3A_417 : vector<16xf32>
      %select_n3A_462 = arith.select %lt3A_461, %get3A_460, %scan3A_417 : vector<16xi1>, vector<16xf32>
      %select_n3A_463 = arith.select %lt3A_461, %scan3A_429, %scan3A_425 : vector<16xi1>, vector<16xi32>
      %get3A_464 = arith.index_cast %scan3A_412 : i32 to index
      %get3A_465 = arith.constant 80 : index
      %get3A_466 = tpu.vector_load %arg5[%get3A_464, %get3A_465] {strides = array<i32>} : memref<256x128xf32, #tpu.memory_space<vmem>>, vector<1x16xf32>,
      %get3A_467 = vector.shape_cast %get3A_466 : vector<1x16xf32> to vector<16xf32>
      %lt3A_468 = arith.cmpf olt, %get3A_467, %scan3A_418 : vector<16xf32>
      %select_n3A_469 = arith.select %lt3A_468, %get3A_467, %scan3A_418 : vector<16xi1>, vector<16xf32>
      %select_n3A_470 = arith.select %lt3A_468, %scan3A_429, %scan3A_426 : vector<16xi1>, vector<16xi32>
      %get3A_471 = arith.index_cast %scan3A_412 : i32 to index
      %get3A_472 = arith.constant 96 : index
      %get3A_473 = tpu.vector_load %arg5[%get3A_471, %get3A_472] {strides = array<i32>} : memref<256x128xf32, #tpu.memory_space<vmem>>, vector<1x16xf32>,
      %get3A_474 = vector.shape_cast %get3A_473 : vector<1x16xf32> to vector<16xf32>
      %lt3A_475 = arith.cmpf olt, %get3A_474, %scan3A_419 : vector<16xf32>
      %select_n3A_476 = arith.select %lt3A_475, %get3A_474, %scan3A_419 : vector<16xi1>, vector<16xf32>
      %select_n3A_477 = arith.select %lt3A_475, %scan3A_429, %scan3A_427 : vector<16xi1>, vector<16xi32>
      %get3A_478 = arith.index_cast %scan3A_412 : i32 to index
      %get3A_479 = arith.constant 112 : index
      %get3A_480 = tpu.vector_load %arg5[%get3A_478, %get3A_479] {strides = array<i32>} : memref<256x128xf32, #tpu.memory_space<vmem>>, vector<1x16xf32>,
      %get3A_481 = vector.shape_cast %get3A_480 : vector<1x16xf32> to vector<16xf32>
      %lt3A_482 = arith.cmpf olt, %get3A_481, %scan3A_420 : vector<16xf32>
      %select_n3A_483 = arith.select %lt3A_482, %get3A_481, %scan3A_420 : vector<16xi1>, vector<16xf32>
      %select_n3A_484 = arith.select %lt3A_482, %scan3A_429, %scan3A_428 : vector<16xi1>, vector<16xi32>
      %add3A_485 = arith.addi %scan3A_429, %broadcast_in_dim3A_12 : vector<16xi32>
      scf.yield %select_n3A_434, %select_n3A_441, %select_n3A_448, %select_n3A_455, %select_n3A_462, %select_n3A_469, %select_n3A_476, %select_n3A_483, %select_n3A_435, %select_n3A_442, %select_n3A_449, %select_n3A_456, %select_n3A_463, %select_n3A_470, %select_n3A_477, %select_n3A_484, %add3A_485 : vector<16xf32>, vector<16xf32>, vector<16xf32>, vector<16xf32>, vector<16xf32>, vector<16xf32>, vector<16xf32>, vector<16xf32>, vector<16xi32>, vector<16xi32>, vector<16xi32>, vector<16xi32>, vector<16xi32>, vector<16xi32>, vector<16xi32>, vector<16xi32>, vector<16xi32>
    }
    %scan3A_312 = arith.constant 256 : i32
    %add3A_313 = arith.constant 1024 : i32
    %add3A_314 = arith.addi %add3A_238, %add3A_313 : i32
    %dma_start3A_315 = tpu.memref_slice %arg2[%add3A_314, %mul3A_11] : memref<16384x2048xf32, #tpu.memory_space<hbm>> -> memref<256x128xf32, #tpu.memory_space<hbm>>
    %dma_start3A_316 = tpu.memref_slice %arg2[%add3A_314, %mul3A_11] : memref<16384x2048xf32, #tpu.memory_space<hbm>> -> memref<256x128xf32, #tpu.memory_space<hbm>>
    tpu.enqueue_dma source(%dma_start3A_316 : memref<256x128xf32, #tpu.memory_space<hbm>>) target(%arg5 : memref<256x128xf32, #tpu.memory_space<vmem>>) target_semaphore(%arg9 : memref<!tpu.dma_semaphore, #tpu.memory_space<semaphore_mem>>)
    %dma_wait3A_317 = tpu.memref_slice %arg2[%add3A_238, %mul3A_11] : memref<16384x2048xf32, #tpu.memory_space<hbm>> -> memref<256x128xf32, #tpu.memory_space<hbm>>
    %dma_wait3A_318 = tpu.memref_slice %arg2[%add3A_238, %mul3A_11] : memref<16384x2048xf32, #tpu.memory_space<hbm>> -> memref<256x128xf32, #tpu.memory_space<hbm>>
    tpu.wait_dma2 semaphore(%arg10 : memref<!tpu.dma_semaphore, #tpu.memory_space<semaphore_mem>>) src(%dma_wait3A_318 : memref<256x128xf32, #tpu.memory_space<hbm>>) dst(%arg6 : memref<256x128xf32, #tpu.memory_space<vmem>>)
    %scan3A_319 = arith.constant 0 : i32
    %scan3A_320 = arith.constant 256 : i32
    %scan3A_321 = arith.addi %scan3A_319, %scan3A_320 : i32
    %scan3A_322 = arith.constant 1 : i32
    %scan3A_323:17 = scf.for %scan3A_412 = %scan3A_319 to %scan3A_321 step %scan3A_322 iter_args(%scan3A_413 = %scan3A_311#0, %scan3A_414 = %scan3A_311#1, %scan3A_415 = %scan3A_311#2, %scan3A_416 = %scan3A_311#3, %scan3A_417 = %scan3A_311#4, %scan3A_418 = %scan3A_311#5, %scan3A_419 = %scan3A_311#6, %scan3A_420 = %scan3A_311#7, %scan3A_421 = %scan3A_311#8, %scan3A_422 = %scan3A_311#9, %scan3A_423 = %scan3A_311#10, %scan3A_424 = %scan3A_311#11, %scan3A_425 = %scan3A_311#12, %scan3A_426 = %scan3A_311#13, %scan3A_427 = %scan3A_311#14, %scan3A_428 = %scan3A_311#15, %scan3A_429 = %scan3A_311#16) -> (vector<16xf32>, vector<16xf32>, vector<16xf32>, vector<16xf32>, vector<16xf32>, vector<16xf32>, vector<16xf32>, vector<16xf32>, vector<16xi32>, vector<16xi32>, vector<16xi32>, vector<16xi32>, vector<16xi32>, vector<16xi32>, vector<16xi32>, vector<16xi32>, vector<16xi32>)  : i32 {
      %get3A = arith.index_cast %scan3A_412 : i32 to index
      %get3A_430 = arith.constant 0 : index
      %get3A_431 = tpu.vector_load %arg6[%get3A, %get3A_430] {strides = array<i32>} : memref<256x128xf32, #tpu.memory_space<vmem>>, vector<1x16xf32>,
      %get3A_432 = vector.shape_cast %get3A_431 : vector<1x16xf32> to vector<16xf32>
      %lt3A_433 = arith.cmpf olt, %get3A_432, %scan3A_413 : vector<16xf32>
      %select_n3A_434 = arith.select %lt3A_433, %get3A_432, %scan3A_413 : vector<16xi1>, vector<16xf32>
      %select_n3A_435 = arith.select %lt3A_433, %scan3A_429, %scan3A_421 : vector<16xi1>, vector<16xi32>
      %get3A_436 = arith.index_cast %scan3A_412 : i32 to index
      %get3A_437 = arith.constant 16 : index
      %get3A_438 = tpu.vector_load %arg6[%get3A_436, %get3A_437] {strides = array<i32>} : memref<256x128xf32, #tpu.memory_space<vmem>>, vector<1x16xf32>,
      %get3A_439 = vector.shape_cast %get3A_438 : vector<1x16xf32> to vector<16xf32>
      %lt3A_440 = arith.cmpf olt, %get3A_439, %scan3A_414 : vector<16xf32>
      %select_n3A_441 = arith.select %lt3A_440, %get3A_439, %scan3A_414 : vector<16xi1>, vector<16xf32>
      %select_n3A_442 = arith.select %lt3A_440, %scan3A_429, %scan3A_422 : vector<16xi1>, vector<16xi32>
      %get3A_443 = arith.index_cast %scan3A_412 : i32 to index
      %get3A_444 = arith.constant 32 : index
      %get3A_445 = tpu.vector_load %arg6[%get3A_443, %get3A_444] {strides = array<i32>} : memref<256x128xf32, #tpu.memory_space<vmem>>, vector<1x16xf32>,
      %get3A_446 = vector.shape_cast %get3A_445 : vector<1x16xf32> to vector<16xf32>
      %lt3A_447 = arith.cmpf olt, %get3A_446, %scan3A_415 : vector<16xf32>
      %select_n3A_448 = arith.select %lt3A_447, %get3A_446, %scan3A_415 : vector<16xi1>, vector<16xf32>
      %select_n3A_449 = arith.select %lt3A_447, %scan3A_429, %scan3A_423 : vector<16xi1>, vector<16xi32>
      %get3A_450 = arith.index_cast %scan3A_412 : i32 to index
      %get3A_451 = arith.constant 48 : index
      %get3A_452 = tpu.vector_load %arg6[%get3A_450, %get3A_451] {strides = array<i32>} : memref<256x128xf32, #tpu.memory_space<vmem>>, vector<1x16xf32>,
      %get3A_453 = vector.shape_cast %get3A_452 : vector<1x16xf32> to vector<16xf32>
      %lt3A_454 = arith.cmpf olt, %get3A_453, %scan3A_416 : vector<16xf32>
      %select_n3A_455 = arith.select %lt3A_454, %get3A_453, %scan3A_416 : vector<16xi1>, vector<16xf32>
      %select_n3A_456 = arith.select %lt3A_454, %scan3A_429, %scan3A_424 : vector<16xi1>, vector<16xi32>
      %get3A_457 = arith.index_cast %scan3A_412 : i32 to index
      %get3A_458 = arith.constant 64 : index
      %get3A_459 = tpu.vector_load %arg6[%get3A_457, %get3A_458] {strides = array<i32>} : memref<256x128xf32, #tpu.memory_space<vmem>>, vector<1x16xf32>,
      %get3A_460 = vector.shape_cast %get3A_459 : vector<1x16xf32> to vector<16xf32>
      %lt3A_461 = arith.cmpf olt, %get3A_460, %scan3A_417 : vector<16xf32>
      %select_n3A_462 = arith.select %lt3A_461, %get3A_460, %scan3A_417 : vector<16xi1>, vector<16xf32>
      %select_n3A_463 = arith.select %lt3A_461, %scan3A_429, %scan3A_425 : vector<16xi1>, vector<16xi32>
      %get3A_464 = arith.index_cast %scan3A_412 : i32 to index
      %get3A_465 = arith.constant 80 : index
      %get3A_466 = tpu.vector_load %arg6[%get3A_464, %get3A_465] {strides = array<i32>} : memref<256x128xf32, #tpu.memory_space<vmem>>, vector<1x16xf32>,
      %get3A_467 = vector.shape_cast %get3A_466 : vector<1x16xf32> to vector<16xf32>
      %lt3A_468 = arith.cmpf olt, %get3A_467, %scan3A_418 : vector<16xf32>
      %select_n3A_469 = arith.select %lt3A_468, %get3A_467, %scan3A_418 : vector<16xi1>, vector<16xf32>
      %select_n3A_470 = arith.select %lt3A_468, %scan3A_429, %scan3A_426 : vector<16xi1>, vector<16xi32>
      %get3A_471 = arith.index_cast %scan3A_412 : i32 to index
      %get3A_472 = arith.constant 96 : index
      %get3A_473 = tpu.vector_load %arg6[%get3A_471, %get3A_472] {strides = array<i32>} : memref<256x128xf32, #tpu.memory_space<vmem>>, vector<1x16xf32>,
      %get3A_474 = vector.shape_cast %get3A_473 : vector<1x16xf32> to vector<16xf32>
      %lt3A_475 = arith.cmpf olt, %get3A_474, %scan3A_419 : vector<16xf32>
      %select_n3A_476 = arith.select %lt3A_475, %get3A_474, %scan3A_419 : vector<16xi1>, vector<16xf32>
      %select_n3A_477 = arith.select %lt3A_475, %scan3A_429, %scan3A_427 : vector<16xi1>, vector<16xi32>
      %get3A_478 = arith.index_cast %scan3A_412 : i32 to index
      %get3A_479 = arith.constant 112 : index
      %get3A_480 = tpu.vector_load %arg6[%get3A_478, %get3A_479] {strides = array<i32>} : memref<256x128xf32, #tpu.memory_space<vmem>>, vector<1x16xf32>,
      %get3A_481 = vector.shape_cast %get3A_480 : vector<1x16xf32> to vector<16xf32>
      %lt3A_482 = arith.cmpf olt, %get3A_481, %scan3A_420 : vector<16xf32>
      %select_n3A_483 = arith.select %lt3A_482, %get3A_481, %scan3A_420 : vector<16xi1>, vector<16xf32>
      %select_n3A_484 = arith.select %lt3A_482, %scan3A_429, %scan3A_428 : vector<16xi1>, vector<16xi32>
      %add3A_485 = arith.addi %scan3A_429, %broadcast_in_dim3A_12 : vector<16xi32>
      scf.yield %select_n3A_434, %select_n3A_441, %select_n3A_448, %select_n3A_455, %select_n3A_462, %select_n3A_469, %select_n3A_476, %select_n3A_483, %select_n3A_435, %select_n3A_442, %select_n3A_449, %select_n3A_456, %select_n3A_463, %select_n3A_470, %select_n3A_477, %select_n3A_484, %add3A_485 : vector<16xf32>, vector<16xf32>, vector<16xf32>, vector<16xf32>, vector<16xf32>, vector<16xf32>, vector<16xf32>, vector<16xf32>, vector<16xi32>, vector<16xi32>, vector<16xi32>, vector<16xi32>, vector<16xi32>, vector<16xi32>, vector<16xi32>, vector<16xi32>, vector<16xi32>
    }
    %scan3A_324 = arith.constant 256 : i32
    %add3A_325 = arith.constant 1280 : i32
    %add3A_326 = arith.addi %add3A_238, %add3A_325 : i32
    %dma_start3A_327 = tpu.memref_slice %arg2[%add3A_326, %mul3A_11] : memref<16384x2048xf32, #tpu.memory_space<hbm>> -> memref<256x128xf32, #tpu.memory_space<hbm>>
    %dma_start3A_328 = tpu.memref_slice %arg2[%add3A_326, %mul3A_11] : memref<16384x2048xf32, #tpu.memory_space<hbm>> -> memref<256x128xf32, #tpu.memory_space<hbm>>
    tpu.enqueue_dma source(%dma_start3A_328 : memref<256x128xf32, #tpu.memory_space<hbm>>) target(%arg6 : memref<256x128xf32, #tpu.memory_space<vmem>>) target_semaphore(%arg10 : memref<!tpu.dma_semaphore, #tpu.memory_space<semaphore_mem>>)
    %dma_wait3A_329 = tpu.memref_slice %arg2[%add3A_238, %mul3A_11] : memref<16384x2048xf32, #tpu.memory_space<hbm>> -> memref<256x128xf32, #tpu.memory_space<hbm>>
    %dma_wait3A_330 = tpu.memref_slice %arg2[%add3A_238, %mul3A_11] : memref<16384x2048xf32, #tpu.memory_space<hbm>> -> memref<256x128xf32, #tpu.memory_space<hbm>>
    tpu.wait_dma2 semaphore(%arg9 : memref<!tpu.dma_semaphore, #tpu.memory_space<semaphore_mem>>) src(%dma_wait3A_330 : memref<256x128xf32, #tpu.memory_space<hbm>>) dst(%arg5 : memref<256x128xf32, #tpu.memory_space<vmem>>)
    %scan3A_331 = arith.constant 0 : i32
    %scan3A_332 = arith.constant 256 : i32
    %scan3A_333 = arith.addi %scan3A_331, %scan3A_332 : i32
    %scan3A_334 = arith.constant 1 : i32
    %scan3A_335:17 = scf.for %scan3A_412 = %scan3A_331 to %scan3A_333 step %scan3A_334 iter_args(%scan3A_413 = %scan3A_323#0, %scan3A_414 = %scan3A_323#1, %scan3A_415 = %scan3A_323#2, %scan3A_416 = %scan3A_323#3, %scan3A_417 = %scan3A_323#4, %scan3A_418 = %scan3A_323#5, %scan3A_419 = %scan3A_323#6, %scan3A_420 = %scan3A_323#7, %scan3A_421 = %scan3A_323#8, %scan3A_422 = %scan3A_323#9, %scan3A_423 = %scan3A_323#10, %scan3A_424 = %scan3A_323#11, %scan3A_425 = %scan3A_323#12, %scan3A_426 = %scan3A_323#13, %scan3A_427 = %scan3A_323#14, %scan3A_428 = %scan3A_323#15, %scan3A_429 = %scan3A_323#16) -> (vector<16xf32>, vector<16xf32>, vector<16xf32>, vector<16xf32>, vector<16xf32>, vector<16xf32>, vector<16xf32>, vector<16xf32>, vector<16xi32>, vector<16xi32>, vector<16xi32>, vector<16xi32>, vector<16xi32>, vector<16xi32>, vector<16xi32>, vector<16xi32>, vector<16xi32>)  : i32 {
      %get3A = arith.index_cast %scan3A_412 : i32 to index
      %get3A_430 = arith.constant 0 : index
      %get3A_431 = tpu.vector_load %arg5[%get3A, %get3A_430] {strides = array<i32>} : memref<256x128xf32, #tpu.memory_space<vmem>>, vector<1x16xf32>,
      %get3A_432 = vector.shape_cast %get3A_431 : vector<1x16xf32> to vector<16xf32>
      %lt3A_433 = arith.cmpf olt, %get3A_432, %scan3A_413 : vector<16xf32>
      %select_n3A_434 = arith.select %lt3A_433, %get3A_432, %scan3A_413 : vector<16xi1>, vector<16xf32>
      %select_n3A_435 = arith.select %lt3A_433, %scan3A_429, %scan3A_421 : vector<16xi1>, vector<16xi32>
      %get3A_436 = arith.index_cast %scan3A_412 : i32 to index
      %get3A_437 = arith.constant 16 : index
      %get3A_438 = tpu.vector_load %arg5[%get3A_436, %get3A_437] {strides = array<i32>} : memref<256x128xf32, #tpu.memory_space<vmem>>, vector<1x16xf32>,
      %get3A_439 = vector.shape_cast %get3A_438 : vector<1x16xf32> to vector<16xf32>
      %lt3A_440 = arith.cmpf olt, %get3A_439, %scan3A_414 : vector<16xf32>
      %select_n3A_441 = arith.select %lt3A_440, %get3A_439, %scan3A_414 : vector<16xi1>, vector<16xf32>
      %select_n3A_442 = arith.select %lt3A_440, %scan3A_429, %scan3A_422 : vector<16xi1>, vector<16xi32>
      %get3A_443 = arith.index_cast %scan3A_412 : i32 to index
      %get3A_444 = arith.constant 32 : index
      %get3A_445 = tpu.vector_load %arg5[%get3A_443, %get3A_444] {strides = array<i32>} : memref<256x128xf32, #tpu.memory_space<vmem>>, vector<1x16xf32>,
      %get3A_446 = vector.shape_cast %get3A_445 : vector<1x16xf32> to vector<16xf32>
      %lt3A_447 = arith.cmpf olt, %get3A_446, %scan3A_415 : vector<16xf32>
      %select_n3A_448 = arith.select %lt3A_447, %get3A_446, %scan3A_415 : vector<16xi1>, vector<16xf32>
      %select_n3A_449 = arith.select %lt3A_447, %scan3A_429, %scan3A_423 : vector<16xi1>, vector<16xi32>
      %get3A_450 = arith.index_cast %scan3A_412 : i32 to index
      %get3A_451 = arith.constant 48 : index
      %get3A_452 = tpu.vector_load %arg5[%get3A_450, %get3A_451] {strides = array<i32>} : memref<256x128xf32, #tpu.memory_space<vmem>>, vector<1x16xf32>,
      %get3A_453 = vector.shape_cast %get3A_452 : vector<1x16xf32> to vector<16xf32>
      %lt3A_454 = arith.cmpf olt, %get3A_453, %scan3A_416 : vector<16xf32>
      %select_n3A_455 = arith.select %lt3A_454, %get3A_453, %scan3A_416 : vector<16xi1>, vector<16xf32>
      %select_n3A_456 = arith.select %lt3A_454, %scan3A_429, %scan3A_424 : vector<16xi1>, vector<16xi32>
      %get3A_457 = arith.index_cast %scan3A_412 : i32 to index
      %get3A_458 = arith.constant 64 : index
      %get3A_459 = tpu.vector_load %arg5[%get3A_457, %get3A_458] {strides = array<i32>} : memref<256x128xf32, #tpu.memory_space<vmem>>, vector<1x16xf32>,
      %get3A_460 = vector.shape_cast %get3A_459 : vector<1x16xf32> to vector<16xf32>
      %lt3A_461 = arith.cmpf olt, %get3A_460, %scan3A_417 : vector<16xf32>
      %select_n3A_462 = arith.select %lt3A_461, %get3A_460, %scan3A_417 : vector<16xi1>, vector<16xf32>
      %select_n3A_463 = arith.select %lt3A_461, %scan3A_429, %scan3A_425 : vector<16xi1>, vector<16xi32>
      %get3A_464 = arith.index_cast %scan3A_412 : i32 to index
      %get3A_465 = arith.constant 80 : index
      %get3A_466 = tpu.vector_load %arg5[%get3A_464, %get3A_465] {strides = array<i32>} : memref<256x128xf32, #tpu.memory_space<vmem>>, vector<1x16xf32>,
      %get3A_467 = vector.shape_cast %get3A_466 : vector<1x16xf32> to vector<16xf32>
      %lt3A_468 = arith.cmpf olt, %get3A_467, %scan3A_418 : vector<16xf32>
      %select_n3A_469 = arith.select %lt3A_468, %get3A_467, %scan3A_418 : vector<16xi1>, vector<16xf32>
      %select_n3A_470 = arith.select %lt3A_468, %scan3A_429, %scan3A_426 : vector<16xi1>, vector<16xi32>
      %get3A_471 = arith.index_cast %scan3A_412 : i32 to index
      %get3A_472 = arith.constant 96 : index
      %get3A_473 = tpu.vector_load %arg5[%get3A_471, %get3A_472] {strides = array<i32>} : memref<256x128xf32, #tpu.memory_space<vmem>>, vector<1x16xf32>,
      %get3A_474 = vector.shape_cast %get3A_473 : vector<1x16xf32> to vector<16xf32>
      %lt3A_475 = arith.cmpf olt, %get3A_474, %scan3A_419 : vector<16xf32>
      %select_n3A_476 = arith.select %lt3A_475, %get3A_474, %scan3A_419 : vector<16xi1>, vector<16xf32>
      %select_n3A_477 = arith.select %lt3A_475, %scan3A_429, %scan3A_427 : vector<16xi1>, vector<16xi32>
      %get3A_478 = arith.index_cast %scan3A_412 : i32 to index
      %get3A_479 = arith.constant 112 : index
      %get3A_480 = tpu.vector_load %arg5[%get3A_478, %get3A_479] {strides = array<i32>} : memref<256x128xf32, #tpu.memory_space<vmem>>, vector<1x16xf32>,
      %get3A_481 = vector.shape_cast %get3A_480 : vector<1x16xf32> to vector<16xf32>
      %lt3A_482 = arith.cmpf olt, %get3A_481, %scan3A_420 : vector<16xf32>
      %select_n3A_483 = arith.select %lt3A_482, %get3A_481, %scan3A_420 : vector<16xi1>, vector<16xf32>
      %select_n3A_484 = arith.select %lt3A_482, %scan3A_429, %scan3A_428 : vector<16xi1>, vector<16xi32>
      %add3A_485 = arith.addi %scan3A_429, %broadcast_in_dim3A_12 : vector<16xi32>
      scf.yield %select_n3A_434, %select_n3A_441, %select_n3A_448, %select_n3A_455, %select_n3A_462, %select_n3A_469, %select_n3A_476, %select_n3A_483, %select_n3A_435, %select_n3A_442, %select_n3A_449, %select_n3A_456, %select_n3A_463, %select_n3A_470, %select_n3A_477, %select_n3A_484, %add3A_485 : vector<16xf32>, vector<16xf32>, vector<16xf32>, vector<16xf32>, vector<16xf32>, vector<16xf32>, vector<16xf32>, vector<16xf32>, vector<16xi32>, vector<16xi32>, vector<16xi32>, vector<16xi32>, vector<16xi32>, vector<16xi32>, vector<16xi32>, vector<16xi32>, vector<16xi32>
    }
    %scan3A_336 = arith.constant 256 : i32
    %dma_wait3A_337 = tpu.memref_slice %arg2[%add3A_238, %mul3A_11] : memref<16384x2048xf32, #tpu.memory_space<hbm>> -> memref<256x128xf32, #tpu.memory_space<hbm>>
    %dma_wait3A_338 = tpu.memref_slice %arg2[%add3A_238, %mul3A_11] : memref<16384x2048xf32, #tpu.memory_space<hbm>> -> memref<256x128xf32, #tpu.memory_space<hbm>>
    tpu.wait_dma2 semaphore(%arg10 : memref<!tpu.dma_semaphore, #tpu.memory_space<semaphore_mem>>) src(%dma_wait3A_338 : memref<256x128xf32, #tpu.memory_space<hbm>>) dst(%arg6 : memref<256x128xf32, #tpu.memory_space<vmem>>)
    %scan3A_339 = arith.constant 0 : i32
    %scan3A_340 = arith.constant 256 : i32
    %scan3A_341 = arith.addi %scan3A_339, %scan3A_340 : i32
    %scan3A_342 = arith.constant 1 : i32
    %scan3A_343:17 = scf.for %scan3A_412 = %scan3A_339 to %scan3A_341 step %scan3A_342 iter_args(%scan3A_413 = %scan3A_335#0, %scan3A_414 = %scan3A_335#1, %scan3A_415 = %scan3A_335#2, %scan3A_416 = %scan3A_335#3, %scan3A_417 = %scan3A_335#4, %scan3A_418 = %scan3A_335#5, %scan3A_419 = %scan3A_335#6, %scan3A_420 = %scan3A_335#7, %scan3A_421 = %scan3A_335#8, %scan3A_422 = %scan3A_335#9, %scan3A_423 = %scan3A_335#10, %scan3A_424 = %scan3A_335#11, %scan3A_425 = %scan3A_335#12, %scan3A_426 = %scan3A_335#13, %scan3A_427 = %scan3A_335#14, %scan3A_428 = %scan3A_335#15, %scan3A_429 = %scan3A_335#16) -> (vector<16xf32>, vector<16xf32>, vector<16xf32>, vector<16xf32>, vector<16xf32>, vector<16xf32>, vector<16xf32>, vector<16xf32>, vector<16xi32>, vector<16xi32>, vector<16xi32>, vector<16xi32>, vector<16xi32>, vector<16xi32>, vector<16xi32>, vector<16xi32>, vector<16xi32>)  : i32 {
      %get3A = arith.index_cast %scan3A_412 : i32 to index
      %get3A_430 = arith.constant 0 : index
      %get3A_431 = tpu.vector_load %arg6[%get3A, %get3A_430] {strides = array<i32>} : memref<256x128xf32, #tpu.memory_space<vmem>>, vector<1x16xf32>,
      %get3A_432 = vector.shape_cast %get3A_431 : vector<1x16xf32> to vector<16xf32>
      %lt3A_433 = arith.cmpf olt, %get3A_432, %scan3A_413 : vector<16xf32>
      %select_n3A_434 = arith.select %lt3A_433, %get3A_432, %scan3A_413 : vector<16xi1>, vector<16xf32>
      %select_n3A_435 = arith.select %lt3A_433, %scan3A_429, %scan3A_421 : vector<16xi1>, vector<16xi32>
      %get3A_436 = arith.index_cast %scan3A_412 : i32 to index
      %get3A_437 = arith.constant 16 : index
      %get3A_438 = tpu.vector_load %arg6[%get3A_436, %get3A_437] {strides = array<i32>} : memref<256x128xf32, #tpu.memory_space<vmem>>, vector<1x16xf32>,
      %get3A_439 = vector.shape_cast %get3A_438 : vector<1x16xf32> to vector<16xf32>
      %lt3A_440 = arith.cmpf olt, %get3A_439, %scan3A_414 : vector<16xf32>
      %select_n3A_441 = arith.select %lt3A_440, %get3A_439, %scan3A_414 : vector<16xi1>, vector<16xf32>
      %select_n3A_442 = arith.select %lt3A_440, %scan3A_429, %scan3A_422 : vector<16xi1>, vector<16xi32>
      %get3A_443 = arith.index_cast %scan3A_412 : i32 to index
      %get3A_444 = arith.constant 32 : index
      %get3A_445 = tpu.vector_load %arg6[%get3A_443, %get3A_444] {strides = array<i32>} : memref<256x128xf32, #tpu.memory_space<vmem>>, vector<1x16xf32>,
      %get3A_446 = vector.shape_cast %get3A_445 : vector<1x16xf32> to vector<16xf32>
      %lt3A_447 = arith.cmpf olt, %get3A_446, %scan3A_415 : vector<16xf32>
      %select_n3A_448 = arith.select %lt3A_447, %get3A_446, %scan3A_415 : vector<16xi1>, vector<16xf32>
      %select_n3A_449 = arith.select %lt3A_447, %scan3A_429, %scan3A_423 : vector<16xi1>, vector<16xi32>
      %get3A_450 = arith.index_cast %scan3A_412 : i32 to index
      %get3A_451 = arith.constant 48 : index
      %get3A_452 = tpu.vector_load %arg6[%get3A_450, %get3A_451] {strides = array<i32>} : memref<256x128xf32, #tpu.memory_space<vmem>>, vector<1x16xf32>,
      %get3A_453 = vector.shape_cast %get3A_452 : vector<1x16xf32> to vector<16xf32>
      %lt3A_454 = arith.cmpf olt, %get3A_453, %scan3A_416 : vector<16xf32>
      %select_n3A_455 = arith.select %lt3A_454, %get3A_453, %scan3A_416 : vector<16xi1>, vector<16xf32>
      %select_n3A_456 = arith.select %lt3A_454, %scan3A_429, %scan3A_424 : vector<16xi1>, vector<16xi32>
      %get3A_457 = arith.index_cast %scan3A_412 : i32 to index
      %get3A_458 = arith.constant 64 : index
      %get3A_459 = tpu.vector_load %arg6[%get3A_457, %get3A_458] {strides = array<i32>} : memref<256x128xf32, #tpu.memory_space<vmem>>, vector<1x16xf32>,
      %get3A_460 = vector.shape_cast %get3A_459 : vector<1x16xf32> to vector<16xf32>
      %lt3A_461 = arith.cmpf olt, %get3A_460, %scan3A_417 : vector<16xf32>
      %select_n3A_462 = arith.select %lt3A_461, %get3A_460, %scan3A_417 : vector<16xi1>, vector<16xf32>
      %select_n3A_463 = arith.select %lt3A_461, %scan3A_429, %scan3A_425 : vector<16xi1>, vector<16xi32>
      %get3A_464 = arith.index_cast %scan3A_412 : i32 to index
      %get3A_465 = arith.constant 80 : index
      %get3A_466 = tpu.vector_load %arg6[%get3A_464, %get3A_465] {strides = array<i32>} : memref<256x128xf32, #tpu.memory_space<vmem>>, vector<1x16xf32>,
      %get3A_467 = vector.shape_cast %get3A_466 : vector<1x16xf32> to vector<16xf32>
      %lt3A_468 = arith.cmpf olt, %get3A_467, %scan3A_418 : vector<16xf32>
      %select_n3A_469 = arith.select %lt3A_468, %get3A_467, %scan3A_418 : vector<16xi1>, vector<16xf32>
      %select_n3A_470 = arith.select %lt3A_468, %scan3A_429, %scan3A_426 : vector<16xi1>, vector<16xi32>
      %get3A_471 = arith.index_cast %scan3A_412 : i32 to index
      %get3A_472 = arith.constant 96 : index
      %get3A_473 = tpu.vector_load %arg6[%get3A_471, %get3A_472] {strides = array<i32>} : memref<256x128xf32, #tpu.memory_space<vmem>>, vector<1x16xf32>,
      %get3A_474 = vector.shape_cast %get3A_473 : vector<1x16xf32> to vector<16xf32>
      %lt3A_475 = arith.cmpf olt, %get3A_474, %scan3A_419 : vector<16xf32>
      %select_n3A_476 = arith.select %lt3A_475, %get3A_474, %scan3A_419 : vector<16xi1>, vector<16xf32>
      %select_n3A_477 = arith.select %lt3A_475, %scan3A_429, %scan3A_427 : vector<16xi1>, vector<16xi32>
      %get3A_478 = arith.index_cast %scan3A_412 : i32 to index
      %get3A_479 = arith.constant 112 : index
      %get3A_480 = tpu.vector_load %arg6[%get3A_478, %get3A_479] {strides = array<i32>} : memref<256x128xf32, #tpu.memory_space<vmem>>, vector<1x16xf32>,
      %get3A_481 = vector.shape_cast %get3A_480 : vector<1x16xf32> to vector<16xf32>
      %lt3A_482 = arith.cmpf olt, %get3A_481, %scan3A_420 : vector<16xf32>
      %select_n3A_483 = arith.select %lt3A_482, %get3A_481, %scan3A_420 : vector<16xi1>, vector<16xf32>
      %select_n3A_484 = arith.select %lt3A_482, %scan3A_429, %scan3A_428 : vector<16xi1>, vector<16xi32>
      %add3A_485 = arith.addi %scan3A_429, %broadcast_in_dim3A_12 : vector<16xi32>
      scf.yield %select_n3A_434, %select_n3A_441, %select_n3A_448, %select_n3A_455, %select_n3A_462, %select_n3A_469, %select_n3A_476, %select_n3A_483, %select_n3A_435, %select_n3A_442, %select_n3A_449, %select_n3A_456, %select_n3A_463, %select_n3A_470, %select_n3A_477, %select_n3A_484, %add3A_485 : vector<16xf32>, vector<16xf32>, vector<16xf32>, vector<16xf32>, vector<16xf32>, vector<16xf32>, vector<16xf32>, vector<16xf32>, vector<16xi32>, vector<16xi32>, vector<16xi32>, vector<16xi32>, vector<16xi32>, vector<16xi32>, vector<16xi32>, vector<16xi32>, vector<16xi32>
    }
    %scan3A_344 = arith.constant 256 : i32
    %swap3A_345 = arith.constant 0 : index
    %swap3A_346 = tpu.vector_load %arg7[%swap3A_345] {strides = array<i32>} : memref<128xf32, #tpu.memory_space<vmem>>, vector<16xf32>,
    %swap3A_347 = vector.shape_cast %swap3A_346 : vector<16xf32> to vector<16xf32>
    %swap3A_348 = vector.shape_cast %scan3A_343#0 : vector<16xf32> to vector<16xf32>
    tpu.vector_store %arg7[%swap3A_345], %swap3A_348 {strides = array<i32>} : memref<128xf32, #tpu.memory_space<vmem>>, vector<16xf32>,
    %swap3A_349 = arith.constant 0 : index
    %swap3A_350 = tpu.vector_load %arg8[%swap3A_349] {strides = array<i32>} : memref<128xi32, #tpu.memory_space<vmem>>, vector<16xi32>,
    %swap3A_351 = vector.shape_cast %swap3A_350 : vector<16xi32> to vector<16xi32>
    %swap3A_352 = vector.shape_cast %scan3A_343#8 : vector<16xi32> to vector<16xi32>
    tpu.vector_store %arg8[%swap3A_349], %swap3A_352 {strides = array<i32>} : memref<128xi32, #tpu.memory_space<vmem>>, vector<16xi32>,
    %swap3A_353 = arith.constant 16 : index
    %swap3A_354 = tpu.vector_load %arg7[%swap3A_353] {strides = array<i32>} : memref<128xf32, #tpu.memory_space<vmem>>, vector<16xf32>,
    %swap3A_355 = vector.shape_cast %swap3A_354 : vector<16xf32> to vector<16xf32>
    %swap3A_356 = vector.shape_cast %scan3A_343#1 : vector<16xf32> to vector<16xf32>
    tpu.vector_store %arg7[%swap3A_353], %swap3A_356 {strides = array<i32>} : memref<128xf32, #tpu.memory_space<vmem>>, vector<16xf32>,
    %swap3A_357 = arith.constant 16 : index
    %swap3A_358 = tpu.vector_load %arg8[%swap3A_357] {strides = array<i32>} : memref<128xi32, #tpu.memory_space<vmem>>, vector<16xi32>,
    %swap3A_359 = vector.shape_cast %swap3A_358 : vector<16xi32> to vector<16xi32>
    %swap3A_360 = vector.shape_cast %scan3A_343#9 : vector<16xi32> to vector<16xi32>
    tpu.vector_store %arg8[%swap3A_357], %swap3A_360 {strides = array<i32>} : memref<128xi32, #tpu.memory_space<vmem>>, vector<16xi32>,
    %swap3A_361 = arith.constant 32 : index
    %swap3A_362 = tpu.vector_load %arg7[%swap3A_361] {strides = array<i32>} : memref<128xf32, #tpu.memory_space<vmem>>, vector<16xf32>,
    %swap3A_363 = vector.shape_cast %swap3A_362 : vector<16xf32> to vector<16xf32>
    %swap3A_364 = vector.shape_cast %scan3A_343#2 : vector<16xf32> to vector<16xf32>
    tpu.vector_store %arg7[%swap3A_361], %swap3A_364 {strides = array<i32>} : memref<128xf32, #tpu.memory_space<vmem>>, vector<16xf32>,
    %swap3A_365 = arith.constant 32 : index
    %swap3A_366 = tpu.vector_load %arg8[%swap3A_365] {strides = array<i32>} : memref<128xi32, #tpu.memory_space<vmem>>, vector<16xi32>,
    %swap3A_367 = vector.shape_cast %swap3A_366 : vector<16xi32> to vector<16xi32>
    %swap3A_368 = vector.shape_cast %scan3A_343#10 : vector<16xi32> to vector<16xi32>
    tpu.vector_store %arg8[%swap3A_365], %swap3A_368 {strides = array<i32>} : memref<128xi32, #tpu.memory_space<vmem>>, vector<16xi32>,
    %swap3A_369 = arith.constant 48 : index
    %swap3A_370 = tpu.vector_load %arg7[%swap3A_369] {strides = array<i32>} : memref<128xf32, #tpu.memory_space<vmem>>, vector<16xf32>,
    %swap3A_371 = vector.shape_cast %swap3A_370 : vector<16xf32> to vector<16xf32>
    %swap3A_372 = vector.shape_cast %scan3A_343#3 : vector<16xf32> to vector<16xf32>
    tpu.vector_store %arg7[%swap3A_369], %swap3A_372 {strides = array<i32>} : memref<128xf32, #tpu.memory_space<vmem>>, vector<16xf32>,
    %swap3A_373 = arith.constant 48 : index
    %swap3A_374 = tpu.vector_load %arg8[%swap3A_373] {strides = array<i32>} : memref<128xi32, #tpu.memory_space<vmem>>, vector<16xi32>,
    %swap3A_375 = vector.shape_cast %swap3A_374 : vector<16xi32> to vector<16xi32>
    %swap3A_376 = vector.shape_cast %scan3A_343#11 : vector<16xi32> to vector<16xi32>
    tpu.vector_store %arg8[%swap3A_373], %swap3A_376 {strides = array<i32>} : memref<128xi32, #tpu.memory_space<vmem>>, vector<16xi32>,
    %swap3A_377 = arith.constant 64 : index
    %swap3A_378 = tpu.vector_load %arg7[%swap3A_377] {strides = array<i32>} : memref<128xf32, #tpu.memory_space<vmem>>, vector<16xf32>,
    %swap3A_379 = vector.shape_cast %swap3A_378 : vector<16xf32> to vector<16xf32>
    %swap3A_380 = vector.shape_cast %scan3A_343#4 : vector<16xf32> to vector<16xf32>
    tpu.vector_store %arg7[%swap3A_377], %swap3A_380 {strides = array<i32>} : memref<128xf32, #tpu.memory_space<vmem>>, vector<16xf32>,
    %swap3A_381 = arith.constant 64 : index
    %swap3A_382 = tpu.vector_load %arg8[%swap3A_381] {strides = array<i32>} : memref<128xi32, #tpu.memory_space<vmem>>, vector<16xi32>,
    %swap3A_383 = vector.shape_cast %swap3A_382 : vector<16xi32> to vector<16xi32>
    %swap3A_384 = vector.shape_cast %scan3A_343#12 : vector<16xi32> to vector<16xi32>
    tpu.vector_store %arg8[%swap3A_381], %swap3A_384 {strides = array<i32>} : memref<128xi32, #tpu.memory_space<vmem>>, vector<16xi32>,
    %swap3A_385 = arith.constant 80 : index
    %swap3A_386 = tpu.vector_load %arg7[%swap3A_385] {strides = array<i32>} : memref<128xf32, #tpu.memory_space<vmem>>, vector<16xf32>,
    %swap3A_387 = vector.shape_cast %swap3A_386 : vector<16xf32> to vector<16xf32>
    %swap3A_388 = vector.shape_cast %scan3A_343#5 : vector<16xf32> to vector<16xf32>
    tpu.vector_store %arg7[%swap3A_385], %swap3A_388 {strides = array<i32>} : memref<128xf32, #tpu.memory_space<vmem>>, vector<16xf32>,
    %swap3A_389 = arith.constant 80 : index
    %swap3A_390 = tpu.vector_load %arg8[%swap3A_389] {strides = array<i32>} : memref<128xi32, #tpu.memory_space<vmem>>, vector<16xi32>,
    %swap3A_391 = vector.shape_cast %swap3A_390 : vector<16xi32> to vector<16xi32>
    %swap3A_392 = vector.shape_cast %scan3A_343#13 : vector<16xi32> to vector<16xi32>
    tpu.vector_store %arg8[%swap3A_389], %swap3A_392 {strides = array<i32>} : memref<128xi32, #tpu.memory_space<vmem>>, vector<16xi32>,
    %swap3A_393 = arith.constant 96 : index
    %swap3A_394 = tpu.vector_load %arg7[%swap3A_393] {strides = array<i32>} : memref<128xf32, #tpu.memory_space<vmem>>, vector<16xf32>,
    %swap3A_395 = vector.shape_cast %swap3A_394 : vector<16xf32> to vector<16xf32>
    %swap3A_396 = vector.shape_cast %scan3A_343#6 : vector<16xf32> to vector<16xf32>
    tpu.vector_store %arg7[%swap3A_393], %swap3A_396 {strides = array<i32>} : memref<128xf32, #tpu.memory_space<vmem>>, vector<16xf32>,
    %swap3A_397 = arith.constant 96 : index
    %swap3A_398 = tpu.vector_load %arg8[%swap3A_397] {strides = array<i32>} : memref<128xi32, #tpu.memory_space<vmem>>, vector<16xi32>,
    %swap3A_399 = vector.shape_cast %swap3A_398 : vector<16xi32> to vector<16xi32>
    %swap3A_400 = vector.shape_cast %scan3A_343#14 : vector<16xi32> to vector<16xi32>
    tpu.vector_store %arg8[%swap3A_397], %swap3A_400 {strides = array<i32>} : memref<128xi32, #tpu.memory_space<vmem>>, vector<16xi32>,
    %swap3A_401 = arith.constant 112 : index
    %swap3A_402 = tpu.vector_load %arg7[%swap3A_401] {strides = array<i32>} : memref<128xf32, #tpu.memory_space<vmem>>, vector<16xf32>,
    %swap3A_403 = vector.shape_cast %swap3A_402 : vector<16xf32> to vector<16xf32>
    %swap3A_404 = vector.shape_cast %scan3A_343#7 : vector<16xf32> to vector<16xf32>
    tpu.vector_store %arg7[%swap3A_401], %swap3A_404 {strides = array<i32>} : memref<128xf32, #tpu.memory_space<vmem>>, vector<16xf32>,
    %swap3A_405 = arith.constant 112 : index
    %swap3A_406 = tpu.vector_load %arg8[%swap3A_405] {strides = array<i32>} : memref<128xi32, #tpu.memory_space<vmem>>, vector<16xi32>,
    %swap3A_407 = vector.shape_cast %swap3A_406 : vector<16xi32> to vector<16xi32>
    %swap3A_408 = vector.shape_cast %scan3A_343#15 : vector<16xi32> to vector<16xi32>
    tpu.vector_store %arg8[%swap3A_405], %swap3A_408 {strides = array<i32>} : memref<128xi32, #tpu.memory_space<vmem>>, vector<16xi32>,
    %mul3A_409 = arith.constant 2048 : i32
    %mul3A_410 = arith.muli %add3A_234, %mul3A_409 : i32
    %add3A_411 = arith.addi %mul3A_410, %mul3A_11 : i32
    "tpu.region"() ({
      %run_scoped3A = tpu.sem_alloc : memref<!tpu.dma_semaphore, #tpu.memory_space<semaphore_mem>>
      %dma_start3A_412 = tpu.memref_slice %arg3[%add3A_411] : memref<8192xf32, #tpu.memory_space<hbm>> -> memref<128xf32, #tpu.memory_space<hbm>>
      %dma_start3A_413 = tpu.memref_slice %arg3[%add3A_411] : memref<8192xf32, #tpu.memory_space<hbm>> -> memref<128xf32, #tpu.memory_space<hbm>>
      tpu.enqueue_dma source(%arg7 : memref<128xf32, #tpu.memory_space<vmem>>) target(%dma_start3A_413 : memref<128xf32, #tpu.memory_space<hbm>>) target_semaphore(%run_scoped3A : memref<!tpu.dma_semaphore, #tpu.memory_space<semaphore_mem>>)
      %dma_wait3A_414 = tpu.memref_slice %arg3[%add3A_411] : memref<8192xf32, #tpu.memory_space<hbm>> -> memref<128xf32, #tpu.memory_space<hbm>>
      %dma_wait3A_415 = tpu.memref_slice %arg3[%add3A_411] : memref<8192xf32, #tpu.memory_space<hbm>> -> memref<128xf32, #tpu.memory_space<hbm>>
      tpu.wait_dma2 semaphore(%run_scoped3A : memref<!tpu.dma_semaphore, #tpu.memory_space<semaphore_mem>>) src(%arg7 : memref<128xf32, #tpu.memory_space<vmem>>) dst(%dma_wait3A_415 : memref<128xf32, #tpu.memory_space<hbm>>)
      tpu.yield
    }) : () -> ()
    "tpu.region"() ({
      %run_scoped3A = tpu.sem_alloc : memref<!tpu.dma_semaphore, #tpu.memory_space<semaphore_mem>>
      %dma_start3A_412 = tpu.memref_slice %arg4[%add3A_411] : memref<8192xi32, #tpu.memory_space<hbm>> -> memref<128xi32, #tpu.memory_space<hbm>>
      %dma_start3A_413 = tpu.memref_slice %arg4[%add3A_411] : memref<8192xi32, #tpu.memory_space<hbm>> -> memref<128xi32, #tpu.memory_space<hbm>>
      tpu.enqueue_dma source(%arg8 : memref<128xi32, #tpu.memory_space<vmem>>) target(%dma_start3A_413 : memref<128xi32, #tpu.memory_space<hbm>>) target_semaphore(%run_scoped3A : memref<!tpu.dma_semaphore, #tpu.memory_space<semaphore_mem>>)
      %dma_wait3A_414 = tpu.memref_slice %arg4[%add3A_411] : memref<8192xi32, #tpu.memory_space<hbm>> -> memref<128xi32, #tpu.memory_space<hbm>>
      %dma_wait3A_415 = tpu.memref_slice %arg4[%add3A_411] : memref<8192xi32, #tpu.memory_space<hbm>> -> memref<128xi32, #tpu.memory_space<hbm>>
      tpu.wait_dma2 semaphore(%run_scoped3A : memref<!tpu.dma_semaphore, #tpu.memory_space<semaphore_mem>>) src(%arg8 : memref<128xi32, #tpu.memory_space<vmem>>) dst(%dma_wait3A_415 : memref<128xi32, #tpu.memory_space<hbm>>)
      tpu.yield
    }) : () -> ()
    return
  }
}

module attributes {stable_mosaic.version = 14 : i64} {
  func.func @_tc_body(%arg0: i32, %arg1: i32, %arg2: memref<1x512x2048xf32, #tpu.memory_space<vmem>>, %arg3: memref<2048xf32, #tpu.memory_space<vmem>>, %arg4: memref<2048xi32, #tpu.memory_space<vmem>>, %arg5: memref<1x2048xf32, #tpu.memory_space<vmem>>, %arg6: memref<1x2048xi32, #tpu.memory_space<vmem>>) attributes {dimension_semantics = [#tpu.dimension_semantics<arbitrary>, #tpu.dimension_semantics<arbitrary>], iteration_bounds = array<i64: 4, 5>, scalar_prefetch = 0 : i64, scratch_operands = 2 : i64, tpu.core_type = #tpu.core_type<tc>, window_params = [{transform_indices = @transform_0, window_bounds = array<i64: 1, 512, 2048>}, {transform_indices = @transform_1, window_bounds = array<i64: 2048>}, {transform_indices = @transform_2, window_bounds = array<i64: 2048>}]} {
    %get3A = arith.constant 0 : index
    %get3A_0 = arith.constant 0 : index
    %get3A_1 = arith.constant 0 : index
    %get3A_2 = vector.load %arg2[%get3A, %get3A_0, %get3A_1] : memref<1x512x2048xf32, #tpu.memory_space<vmem>>, vector<1x512x2048xf32>
    %get3A_3 = vector.shape_cast %get3A_2 : vector<1x512x2048xf32> to vector<512x2048xf32>
    %reduce_min3A = arith.constant dense<0x7F800000> : vector<2048xf32>
    %reduce_min3A_4 = vector.multi_reduction <minimumf>, %get3A_3, %reduce_min3A [0] : vector<512x2048xf32> to vector<2048xf32>
    %iota3A = tpu.iota {dimensions = array<i32: 0>} : vector<512x2048xi32>
    %mul3A = arith.constant 512 : i32
    %mul3A_5 = arith.muli %arg1, %mul3A : i32
    %add3A = vector.broadcast %mul3A_5 : i32 to vector<512x2048xi32>
    %add3A_6 = arith.addi %iota3A, %add3A : vector<512x2048xi32>
    %broadcast_in_dim3A = vector.shape_cast %reduce_min3A_4 : vector<2048xf32> to vector<1x2048xf32>
    %eq3A = vector.broadcast %broadcast_in_dim3A : vector<1x2048xf32> to vector<512x2048xf32>
    %eq3A_7 = arith.cmpf oeq, %get3A_3, %eq3A : vector<512x2048xf32>
    %jit3A = arith.constant 4096 : i32
    %broadcast_in_dim3A_8 = vector.broadcast %jit3A : i32 to vector<512x2048xi32>
    %select_n3A = arith.select %eq3A_7, %add3A_6, %broadcast_in_dim3A_8 : vector<512x2048xi1>, vector<512x2048xi32>
    %reduce_min3A_9 = arith.constant dense<2147483647> : vector<2048xi32>
    %reduce_min3A_10 = vector.multi_reduction <minsi>, %select_n3A, %reduce_min3A_9 [0] : vector<512x2048xi32> to vector<2048xi32>
    %eq3A_11 = arith.constant 0 : i32
    %eq3A_12 = arith.cmpi eq, %arg1, %eq3A_11 : i32
    %convert_element_type3A = arith.extui %eq3A_12 : i1 to i32
    %cond3A = arith.constant 0 : i32
    %cond3A_13 = arith.cmpi ne, %convert_element_type3A, %cond3A : i32
    scf.if %cond3A_13 {
      %swap3A = arith.constant 0 : index
      %swap3A_23 = arith.constant 0 : index
      %swap3A_24 = vector.load %arg5[%swap3A, %swap3A_23] : memref<1x2048xf32, #tpu.memory_space<vmem>>, vector<1x2048xf32>
      %swap3A_25 = vector.shape_cast %swap3A_24 : vector<1x2048xf32> to vector<2048xf32>
      %swap3A_26 = vector.shape_cast %reduce_min3A_4 : vector<2048xf32> to vector<1x2048xf32>
      tpu.vector_store %arg5[%swap3A, %swap3A_23], %swap3A_26 {strides = array<i32>} : memref<1x2048xf32, #tpu.memory_space<vmem>>, vector<1x2048xf32>,
      %swap3A_27 = arith.constant 0 : index
      %swap3A_28 = arith.constant 0 : index
      %swap3A_29 = vector.load %arg6[%swap3A_27, %swap3A_28] : memref<1x2048xi32, #tpu.memory_space<vmem>>, vector<1x2048xi32>
      %swap3A_30 = vector.shape_cast %swap3A_29 : vector<1x2048xi32> to vector<2048xi32>
      %swap3A_31 = vector.shape_cast %reduce_min3A_10 : vector<2048xi32> to vector<1x2048xi32>
      tpu.vector_store %arg6[%swap3A_27, %swap3A_28], %swap3A_31 {strides = array<i32>} : memref<1x2048xi32, #tpu.memory_space<vmem>>, vector<1x2048xi32>,
    } else {
    }
    %gt3A = arith.constant 0 : i32
    %gt3A_14 = arith.cmpi sgt, %arg1, %gt3A : i32
    %convert_element_type3A_15 = arith.extui %gt3A_14 : i1 to i32
    %cond3A_16 = arith.constant 0 : i32
    %cond3A_17 = arith.cmpi ne, %convert_element_type3A_15, %cond3A_16 : i32
    scf.if %cond3A_17 {
      %get3A_23 = arith.constant 0 : index
      %get3A_24 = arith.constant 0 : index
      %get3A_25 = vector.load %arg5[%get3A_23, %get3A_24] : memref<1x2048xf32, #tpu.memory_space<vmem>>, vector<1x2048xf32>
      %get3A_26 = vector.shape_cast %get3A_25 : vector<1x2048xf32> to vector<2048xf32>
      %lt3A = arith.cmpf olt, %reduce_min3A_4, %get3A_26 : vector<2048xf32>
      %select_n3A_27 = arith.select %lt3A, %reduce_min3A_4, %get3A_26 : vector<2048xi1>, vector<2048xf32>
      %swap3A = arith.constant 0 : index
      %swap3A_28 = arith.constant 0 : index
      %swap3A_29 = vector.load %arg5[%swap3A, %swap3A_28] : memref<1x2048xf32, #tpu.memory_space<vmem>>, vector<1x2048xf32>
      %swap3A_30 = vector.shape_cast %swap3A_29 : vector<1x2048xf32> to vector<2048xf32>
      %swap3A_31 = vector.shape_cast %select_n3A_27 : vector<2048xf32> to vector<1x2048xf32>
      tpu.vector_store %arg5[%swap3A, %swap3A_28], %swap3A_31 {strides = array<i32>} : memref<1x2048xf32, #tpu.memory_space<vmem>>, vector<1x2048xf32>,
      %get3A_32 = arith.constant 0 : index
      %get3A_33 = arith.constant 0 : index
      %get3A_34 = vector.load %arg6[%get3A_32, %get3A_33] : memref<1x2048xi32, #tpu.memory_space<vmem>>, vector<1x2048xi32>
      %get3A_35 = vector.shape_cast %get3A_34 : vector<1x2048xi32> to vector<2048xi32>
      %select_n3A_36 = arith.select %lt3A, %reduce_min3A_10, %get3A_35 : vector<2048xi1>, vector<2048xi32>
      %swap3A_37 = arith.constant 0 : index
      %swap3A_38 = arith.constant 0 : index
      %swap3A_39 = vector.load %arg6[%swap3A_37, %swap3A_38] : memref<1x2048xi32, #tpu.memory_space<vmem>>, vector<1x2048xi32>
      %swap3A_40 = vector.shape_cast %swap3A_39 : vector<1x2048xi32> to vector<2048xi32>
      %swap3A_41 = vector.shape_cast %select_n3A_36 : vector<2048xi32> to vector<1x2048xi32>
      tpu.vector_store %arg6[%swap3A_37, %swap3A_38], %swap3A_41 {strides = array<i32>} : memref<1x2048xi32, #tpu.memory_space<vmem>>, vector<1x2048xi32>,
    } else {
    }
    %eq3A_18 = arith.constant 4 : i32
    %eq3A_19 = arith.cmpi eq, %arg1, %eq3A_18 : i32
    %convert_element_type3A_20 = arith.extui %eq3A_19 : i1 to i32
    %cond3A_21 = arith.constant 0 : i32
    %cond3A_22 = arith.cmpi ne, %convert_element_type3A_20, %cond3A_21 : i32
    scf.if %cond3A_22 {
      %get3A_23 = arith.constant 0 : index
      %get3A_24 = arith.constant 0 : index
      %get3A_25 = vector.load %arg5[%get3A_23, %get3A_24] : memref<1x2048xf32, #tpu.memory_space<vmem>>, vector<1x2048xf32>
      %get3A_26 = vector.shape_cast %get3A_25 : vector<1x2048xf32> to vector<2048xf32>
      %swap3A = arith.constant 0 : index
      %swap3A_27 = vector.load %arg3[%swap3A] : memref<2048xf32, #tpu.memory_space<vmem>>, vector<2048xf32>
      tpu.vector_store %arg3[%swap3A], %get3A_26 {strides = array<i32>} : memref<2048xf32, #tpu.memory_space<vmem>>, vector<2048xf32>,
      %get3A_28 = arith.constant 0 : index
      %get3A_29 = arith.constant 0 : index
      %get3A_30 = vector.load %arg6[%get3A_28, %get3A_29] : memref<1x2048xi32, #tpu.memory_space<vmem>>, vector<1x2048xi32>
      %get3A_31 = vector.shape_cast %get3A_30 : vector<1x2048xi32> to vector<2048xi32>
      %swap3A_32 = arith.constant 0 : index
      %swap3A_33 = vector.load %arg4[%swap3A_32] : memref<2048xi32, #tpu.memory_space<vmem>>, vector<2048xi32>
      tpu.vector_store %arg4[%swap3A_32], %get3A_31 {strides = array<i32>} : memref<2048xi32, #tpu.memory_space<vmem>>, vector<2048xi32>,
    } else {
    }
    return
  }
  func.func @transform_0(%arg0: i32, %arg1: i32) -> (i32, i32, i32) {
    %c0_i32 = arith.constant 0 : i32
    %c0_i32_0 = arith.constant 0 : i32
    return %arg0, %arg1, %c0_i32 : i32, i32, i32
  }
  func.func @transform_1(%arg0: i32, %arg1: i32) -> i32 {
    %c0_i32 = arith.constant 0 : i32
    return %arg0 : i32
  }
  func.func @transform_2(%arg0: i32, %arg1: i32) -> i32 {
    %c0_i32 = arith.constant 0 : i32
    return %arg0 : i32
  }
}

</mosaic_0001>

<sc_bundles>
// kernel: kernel.4.cloned.1.call-start
scs
__scs_entry_jumppad:
0x0: {  	(pc) =	sbr.rel $0x88, $3  }
0x1: {  	(tag) =	ssettag $0x0;
	lr =	simm.s32 $0x1  }
0x2: {  	[smem:$0x3FA0] =	sst lr;
	_ =	strace $0xD0000000  }
0x3: {  	_ = 	snop  }
0x4: {  	_ = 	snop  }
0x5: {  	_ = 	snop  }
0x6: {  	_ = 	snop  }
0x7: {  	_ = 	snop  }
__scs_overlays_trampoline_lowered:
0x8: {  	[smem:$0x3FAF] =	sst s0  }
0x9: {  	[smem:$0x3FB0] =	sst s1  }
0xa: {  	[smem:$0x3FB1] =	sst s2  }
0xb: {  	[smem:$0x3FB2] =	sst s3  }
0xc: {  	[smem:$0x3FB3] =	sst s4  }
0xd: {  	[smem:$0x3FB4] =	sst s5  }
0xe: {  	[smem:$0x3FB5] =	sst s6  }
0xf: {  	[smem:$0x3FB6] =	sst s7  }
0x10: {  	[smem:$0x3FB7] =	sst s8  }
0x11: {  	[smem:$0x3FB8] =	sst s9;
	s0 =	simm.s32 @!p0 $0x0  }
0x12: {  	s1 =	sld [smem:$0x3F9E];
	s0 =	simm.s32 @p0 $0x1  }
0x13: {  	[smem:$0x3FB9] =	sst s0;
	s0 =	simm.s32 @!p1 $0x0  }
0x14: {  	s2 =	sld [smem:$0x3F9D];
	s0 =	simm.s32 @p1 $0x1  }
0x15: {  	[smem:$0x3FBA] =	sst s0;
	s0 =	simm.s32 @!p2 $0x0  }
0x16: {  	s3 =	sld [smem:$0x3FDB];
	s0 =	simm.s32 @p2 $0x1  }
0x17: {  	s4 =	simm.s32 $0x1BF5;
	[smem:$0x3FBC] =	sst s0  }
0x18: {  	s0 =	sld [smem:$0x3F9F];
	_ =	swait.ge [sflag:s4], $0x0  }
0x19: {  	s7 =	sld [smem:$0x3FA0]  }
0x1a: {  	s8 =	sadd.s32 $0xFFFFE003, lr  }
0x1b: {  	s9 =	sadd.s32 $0xFFFFFEF7, lr;
	s5 =	simm.s32 $0xFFFFFFFF;
	p2 =	slt.u32 s8, $0xFFFFF086  }
0x1c: {  	p1 =	slt.u32 s9, $0xF7A;
	s5 =	simm.s32 @!p2 $0x0  }
0x1d: {  	s5 =	simm.s32 @p1 $0x1;
	p0 =	seq.s32 s7, s2  }
0x1e: {  	s7 =	smul.u32 @!p0 $0xF7A, s2;
	p2 =	seq.s32 @!p0 s5, $0x0  }
0x1f: {  	s9 =	smul.u32 $0xF7A, s1;
	s8 =	simm.s32 @!p0 $0x1BF5;
	p2 =	por !p2, p0  }
0x20: {  	[sflag:s8] =	ssyncset.s32 @!p0 $0xFFFFF086;
	s6 =	sadd.s32 @!p0 s3, s7;
	s7 =	simm.s32 @!p0 $0x108  }
0x21: {  	s3 =	sadd.s32 s3, s9;
	s6 =	sadd.s32 @!p0 $0x88, s6;
	s7 =	simm.s32 @p2 $0x1082  }
0x22: {  	[simem:s7], [sflag:s8] =	dma.local @!p0 [hbm:s6], $0xF7A  }
0x23: {  	s9 =	sor.u32 $0xD0000000, s2;
	s6 =	simm.s32 $0x108;
	_ =	swait.ge @!p0 [sflag:s8], $0x0  }
0x24: {  	s3 =	sadd.s32 $0x88, s3;
	s6 =	simm.s32 @!p1 $0x1082;
	[sflag:s4] =	ssyncset.s32 $0xFFFFF086  }
0x25: {  	[simem:s6], [sflag:s4] =	dma.local [hbm:s3], $0xF7A  }
0x26: {  	[smem:$0x3FA0] =	sst s1;
	(tag) =	ssettag s2;
	_ =	strace s9  }
0x27: {  	s1 =	sld [smem:$0x3FB0]  }
0x28: {  	s2 =	sld [smem:$0x3FB1]  }
0x29: {  	s4 =	sld [smem:$0x3FB3]  }
0x2a: {  	p0 =	seq.s32 s5, $0x0;
	s5 =	sld [smem:$0x3FB4]  }
0x2b: {  	s6 =	sld [smem:$0x3FB5]  }
0x2c: {  	s7 =	sld [smem:$0x3FB6]  }
0x2d: {  	s3 =	simm.s32 $0x108;
	s8 =	sld [smem:$0x3FB7]  }
0x2e: {  	s3 =	simm.s32 @!p0 $0x1082;
	s9 =	sld [smem:$0x3FB8]  }
0x2f: {  	lr =	sadd.s32 s0, s3;
	s0 =	sld [smem:$0x3FAF]  }
0x30: {  	s3 =	sld [smem:$0x3FB2]  }
0x31: {  	[smem:$0x3FBB] =	sst s10  }
0x32: {  	s10 =	sld [smem:$0x3FB9];
	_ =	sdelay $0x3  }
0x33: {  	p0 =	seq.s32 s10, $0x1;
	s10 =	sld [smem:$0x3FBB];
	_ =	sdelay $0x3  }
0x34: {  	[smem:$0x3FBB] =	sst s10  }
0x35: {  	s10 =	sld [smem:$0x3FBA];
	_ =	sdelay $0x3  }
0x36: {  	p1 =	seq.s32 s10, $0x1;
	s10 =	sld [smem:$0x3FBB];
	_ =	sdelay $0x3  }
0x37: {  	[smem:$0x3FBB] =	sst s10  }
0x38: {  	s10 =	sld [smem:$0x3FBC]  }
0x39: {  	_ = 	snop;
	(pc) =	sbr.ind lr, $3  }
0x3a: {  	_ = 	snop  }
0x3b: {  	_ = 	snop  }
0x3c: {  	p2 =	seq.s32 s10, $0x1;
	s10 =	sld [smem:$0x3FBB]  }
0x3d: {  	_ =	shalt  }
0x3e: {  	_ =	shalt  }
0x3f: {  	_ =	shalt  }
0x40: {  	_ =	shalt  }
0x41: {  	_ =	shalt  }
0x42: {  	_ =	shalt  }
0x43: {  	_ =	shalt  }
0x44: {  	_ =	shalt  }
0x45: {  	_ =	shalt  }
0x46: {  	_ =	shalt  }
0x47: {  	_ =	shalt  }
0x48: {  	_ =	shalt  }
0x49: {  	_ =	shalt  }
0x4a: {  	_ =	shalt  }
0x4b: {  	_ =	shalt  }
0x4c: {  	_ =	shalt  }
0x4d: {  	_ =	shalt  }
0x4e: {  	_ =	shalt  }
0x4f: {  	_ =	shalt  }
0x50: {  	_ =	shalt  }
0x51: {  	_ =	shalt  }
0x52: {  	_ =	shalt  }
0x53: {  	_ =	shalt  }
0x54: {  	_ =	shalt  }
0x55: {  	_ =	shalt  }
0x56: {  	_ =	shalt  }
0x57: {  	_ =	shalt  }
0x58: {  	_ =	shalt  }
0x59: {  	_ =	shalt  }
0x5a: {  	_ =	shalt  }
0x5b: {  	_ =	shalt  }
0x5c: {  	_ =	shalt  }
0x5d: {  	_ =	shalt  }
0x5e: {  	_ =	shalt  }
0x5f: {  	_ =	shalt  }
0x60: {  	_ =	shalt  }
0x61: {  	_ =	shalt  }
0x62: {  	_ =	shalt  }
0x63: {  	_ =	shalt  }
0x64: {  	_ =	shalt  }
0x65: {  	_ =	shalt  }
0x66: {  	_ =	shalt  }
0x67: {  	_ =	shalt  }
0x68: {  	_ =	shalt  }
0x69: {  	_ =	shalt  }
0x6a: {  	_ =	shalt  }
0x6b: {  	_ =	shalt  }
0x6c: {  	_ =	shalt  }
0x6d: {  	_ =	shalt  }
0x6e: {  	_ =	shalt  }
0x6f: {  	_ =	shalt  }
0x70: {  	_ =	shalt  }
0x71: {  	_ =	shalt  }
0x72: {  	_ =	shalt  }
0x73: {  	_ =	shalt  }
0x74: {  	_ =	shalt  }
0x75: {  	_ =	shalt  }
0x76: {  	_ =	shalt  }
0x77: {  	_ =	shalt  }
0x78: {  	_ =	shalt  }
0x79: {  	_ =	shalt  }
0x7a: {  	_ =	shalt  }
0x7b: {  	_ =	shalt  }
0x7c: {  	_ =	shalt  }
0x7d: {  	_ =	shalt  }
0x7e: {  	_ =	shalt  }
0x7f: {  	_ =	shalt  }
0x80: {  	_ =	shalt  }
0x81: {  	_ =	shalt  }
0x82: {  	_ =	shalt  }
0x83: {  	_ =	shalt  }
0x84: {  	_ =	shalt  }
0x85: {  	_ =	shalt  }
0x86: {  	_ =	shalt  }
0x87: {  	_ =	shalt  }
.Lfunc_end0:
.L_simem_size_0:
called_computation_lowered:
.L_overlay_start_0:
0x88: {  	s2 =	sld [smem:$0x3FD9]  }
0x89: {  	s3 =	sld [smem:$0x3FFE];
	_ =	sdelay $0x1  }
0x8a: {  	s1 =	srdreg.scid  }
0x8b: {  	s0 =	sand.u32 $0x1, s1  }
0x8c: {  	s17 =	sshll.u32 s0, $0xA;
	s2 =	sadd.s32 s3, s2  }
0x8d: {  	s2 =	sadd.s32 s2, s17  }
0x8e: {  	[smem:$0x3FC7] =	sst s2  }
0x8f: {  	_ = 	snop  }
0x90: {  	s2 =	sld [smem:$0x3FC9]  }
0x91: {  	s18 =	sld [smem:$0x3FD0];
	(tm) =	ssettm $0x1  }
0x92: {  	s4 =	sld [smem:$0x3FFB];
	_ =	sdelay $0x3  }
0x93: {  	_ =	strace s4  }
0x94: {  	s4 =	sld [smem:$0x3FFC];
	_ =	sdelay $0x3  }
0x95: {  	_ =	strace s4  }
0x96: {  	s4 =	sld [smem:$0x3FFD];
	_ =	sdelay $0x3  }
0x97: {  	_ =	strace s4  }
0x98: {  	_ =	strace $0x8FFFFFFF  }
0x99: {  	s19 =	sld [smem:$0x3FDB];
	_ =	sdelay $0x1  }
0x9a: {  	s5 =	simm.s32 $_scs_section_size  }
0x9b: {  	s6 =	simm.s32 $_size__tile_overlayer_lowered;
	s7 =	simm.s32 $_tile_overlayer_lowered  }
0x9c: {  	s22 =	simm.s32 $0x1BFF;
	s21 =	sshll.u32 s7, $0x1;
	s4 =	sadd.s32 s5, s19  }
0x9d: {  	s8 =	simm.s32 $0x0;
	s20 =	sshll.u32 s6, $0x1;
	s6 =	sadd.s32 s21, s4  }
0x9e: {  	[timem:s8], [sflag:s22] =	dma.local [hbm:s6], s20  }
0x9f: {  	_ =	swait.ge [sflag:s22], s20  }
0xa0: {  	s5 =	ssub.s32 $0x0, s20;
	[sflag:s22] =	ssyncset.done $0x0  }
0xa1: {  	[sflag:s22] =	ssyncadd.s32 s5;
	_ =	sdelay $0x1  }
0xa2: {  	s23 =	simm.s32 $0x1B8B  }
0xa3: {  	_ =	swait.ge [sflag:s23], $0x1  }
0xa4: {  	[sflag:s23] =	ssyncset.done $0x0  }
0xa5: {  	s25 =	simm.s32 $0x1B8E;
	s24 =	sld [smem:$0x3FFE];
	[sflag:s23] =	ssyncadd.s32 $0xFFFFFFFF  }
0xa6: {  	s26 =	simm.s32 $execute0_lowered;
	[smem:$0x3FD2] =	sst s25  }
0xa7: {  	s6 =	sshll.u32 s26, $0x1;
	_ =	strace $0x80000046;
	[dreg:$0x1] =	wrdreg $0xFFFFFFFF  }
0xa8: {  	s28 =	simm.s32 $_size_execute0_lowered;
	s4 =	sadd.s32 s4, s6;
	[dreg:$0x0] =	wrdreg $0x0  }
0xa9: {  	s6 =	sshll.u32 s28, $0x1;
	[dreg:$0x2] =	wrdreg s4  }
0xaa: {  	[dreg:$0x3] =	wrdreg s6  }
0xab: {  	[dreg:$0x4] =	wrdreg $0xC0  }
0xac: {  	_ =	task [dreg:s8], $0x5FFFF  }
0xad: {  	[dreg:$0x1] =	wrdreg $0xFFFFFFFF  }
0xae: {  	[dreg:$0x0] =	wrdreg $0x60  }
0xaf: {  	[dreg:$0x2] =	wrdreg s2  }
0xb0: {  	[dreg:$0x3] =	wrdreg s18  }
0xb1: {  	[dreg:$0x4] =	wrdreg s24  }
0xb2: {  	[dreg:$0x5] =	wrdreg $0x9  }
0xb3: {  	_ =	task.clear_ibuf [dreg:s8], $0x6FFFF;
	_ =	strace $0x90000046  }
0xb4: {  	s29 =	simm.s32 $0x9;
	_ =	strace $0x80000048  }
0xb5: {  	_ =	swait.ge [sflag:s29], $0x1  }
0xb6: {  	[sflag:s29] =	ssyncadd.s32 $0xFFFFFFFF  }
0xb7: {  	_ =	strace $0x90000048  }
0xb8: {  	_ =	sfence  }
0xb9: {  	s30 =	sld [smem:$0x0];
	_ =	sdelay $0x2  }
0xba: {  	s31 =	sshll.u32 s1, $0xD;
	s1 =	sshrl.u32 s1, $0x2  }
0xbb: {  	s3 =	sand.u32 $0x4000, s31;
	s1 =	sadd.s32 s1, s30  }
0xbc: {  	s0 =	sor.u32 s3, s0;
	s1 =	sshll.u32 s1, $0x11  }
0xbd: {  	s0 =	sor.u32 s1, s0  }
0xbe: {  	s0 =	sadd.s32 $0x8F2B, s0  }
0xbf: {  	[sflag:s0] =	ssyncadd.remote.s32 $0x1  }
0xc0: {  	_ =	sfence.sel $0xFFFF  }
0xc1: {  	[dreg:$0x0] =	wrdreg $0xFFFFFFFF;
	(pc) =	sbr.abs _section_cstart, $3  }
0xc2: {  	[dreg:$0x1] =	wrdreg $0xFFFFFFFF  }
0xc3: {  	_ =	task.clear_ibuf [dreg:s8], $0x2FFFF;
	_ =	strace $0x9FFFFFFF  }
0xc4: {  	(tm) =	ssettm $0x7FFFFFFF  }
0xc5: {  	_ =	shalt  }
tec
execute0_lowered:
.L_overlay_start_1:
0x0: {  	(tag) =	ssettag $0x1  }
0x1: {  	s8 =	rddreg [dreg:$0x0]  }
0x2: {  	s17 =	rddreg [dreg:$0x1]  }
0x3: {  	s3 =	rddreg [dreg:$0x2]  }
0x4: {  	s0 =	rddreg [dreg:$0x3];
	s2 =	simm.s32 $0x0  }
0x5: {  	s4 =	srdreg.scid;
	s1 =	stileid.u32;
	s23 =	simm.s32 $0x1  }
0x6: {  	s28 =	simm.s32 $0x10080;
	s29 =	simm.s32 $0x0;
	[smem:$0x7FF] =	sst s2  }
0x7: {  	s4 =	sand.u32 $0x1, s4;
	s5 =	sshll.u32 s1, $0x1;
	s18 =	sadd.s32 $0xA00, s3  }
0x8: {  	s9 =	sshrl.u32 s1, $0x3;
	s11 =	sadd.s32 $0xA0000, s8;
	s12 =	sadd.s32 $0xB0000, s8  }
0x9: {  	s13 =	sadd.s32 $0xC0000, s8;
	s14 =	sadd.s32 $0xD0000, s8;
	s16 =	sadd.s32 $0xE0000, s8  }
0xa: {  	s21 =	sadd.s32 $0xF0000, s8;
	_ =	strace $0x80000047;
	s24 =	ssub.s32 $0x2, s4  }
0xb: {  	s5 =	sand.u32 $0xE, s5;
	s25 =	sshll.u32 s9, $0x14;
	s20 =	sshll.u32 s9, $0xB  }
0xc: {  	s22 =	sor.u32 $0x2, s9;
	s6 =	sshrl.u32 s24, $0x1;
	s4 =	sor.u32 s4, s5  }
0xd: {  	s30 =	sshll.u32 s22, $0x14;
	s22 =	sshll.u32 s22, $0xB;
	s15 =	sshll.u32 s4, $0x7  }
0xe: {  	s19 =	ssub.s32 s24, s6;
	s24 =	simm.s32 $0x2;
	s10 =	sor.u32 s25, s15  }
0xf: {  	s20 =	sor.u32 s20, s15;
	s22 =	sor.u32 s22, s15;
	s19 =	smax.u32 s19, $0x1  }
0x10: {  	s25 =	simm.s32 $0x10000;
	s3 =	sadd.s32 s10, s11;
	s4 =	sadd.s32 s10, s12  }
0x11: {  	s5 =	sadd.s32 s10, s13;
	s6 =	sadd.s32 s10, s14;
	s7 =	sadd.s32 s10, s16  }
0x12: {  	s8 =	sadd.s32 s10, s21;
	s26 =	sshrl.u32 s20, $0x3;
	s20 =	sor.u32 s30, s15  }
0x13: {  	s31 =	sshrl.u32 s22, $0x3;
	s22 =	simm.s32 $0x8000;
	s9 =	sadd.s32 s17, s26  }
0x14: {  	s10 =	sadd.s32 s18, s26;
	s11 =	sadd.s32 s20, s11;
	s12 =	sadd.s32 s20, s12  }
0x15: {  	s13 =	sadd.s32 s20, s13;
	s14 =	sadd.s32 s20, s14;
	s15 =	sadd.s32 s20, s16  }
0x16: {  	s16 =	sadd.s32 s20, s21;
	s17 =	sadd.s32 s17, s31;
	s18 =	sadd.s32 s18, s31  }
0x17: {  	s20 =	simm.s32 $0x400;
	s21 =	simm.s32 $0x4000;
	s26 =	simm.s32 $0x3  }
.LBB2_1:
0x18: {  	[tilespmem:s2], [sflag:$0x1] =	stream.strided.gather [hbm4b:s3+s20], $0x8000, s21, s20, $0x38;
	[tilespmem:$0x10100] =	vst v63  }
0x19: {  	_ = 	snop  }
0x1a: {  	[tilespmem:s22], [sflag:$0x2] =	stream.strided.gather [hbm4b:s4+s20], $0x8000, s21, s20, $0x38;
	[tilespmem:$0x10100] =	vst v63  }
0x1b: {  	_ =	swait.ge [sflag:s23], $0x8000  }
0x1c: {  	[sflag:s23] =	ssyncset.done $0x0  }
0x1d: {  	s30 =	simm.s32 $0x0;
	[sflag:s23] =	ssyncadd.s32 $0xFFFF8000  }
0x1e: {  	v2 =	vld [tilespmem:s30+$0x0]  }
0x1f: {  	v4 =	vld [tilespmem:s30+$0x10]  }
0x20: {  	v5 =	vld [tilespmem:s30+$0x20]  }
0x21: {  	v6 =	vld [tilespmem:s30+$0x30]  }
0x22: {  	v7 =	vld [tilespmem:s30+$0x40]  }
0x23: {  	v8 =	vld [tilespmem:s30+$0x50]  }
0x24: {  	v9 =	vld [tilespmem:s30+$0x60];
	_ =	sdelay $0x1  }
0x25: {  	v15 =	vimm.f32 $+Inf;
	v1 =	vimm.s32 $0x0;
	v16 =	vld [tilespmem:s30+$0x70]  }
0x26: {  	v0 =	vimm.s32 $0xA00;
	s30 =	simm.s32 $0x80;
	vm0 =	vlt.f32 v2, v15;
	vm1 =	vlt.f32 v4, v15  }
0x27: {  	v10 =	vld [tilespmem:s30+$0x0];
	vm2 =	vlt.f32 v5, v15;
	vm3 =	vlt.f32 v6, v15;
	vm4 =	vlt.f32 v7, v15  }
0x28: {  	v19 =	vld [tilespmem:s30+$0x10];
	vm5 =	vlt.f32 v8, v15;
	vm6 =	vlt.f32 v9, v15;
	v11 =	vsel vm0, v2, v15  }
0x29: {  	v12 =	vld [tilespmem:s30+$0x20];
	v3 =	vsel vm0, v0, v1;
	v2 =	vsel vm1, v4, v15;
	v13 =	vsel vm2, v5, v15  }
0x2a: {  	v20 =	vld [tilespmem:s30+$0x30];
	v4 =	vsel vm3, v6, v15;
	v5 =	vsel vm4, v7, v15;
	vm0 =	vlt.f32 v16, v15  }
0x2b: {  	v22 =	vld [tilespmem:s30+$0x40];
	v14 =	vsel vm5, v8, v15;
	v6 =	vsel vm6, v9, v15;
	v8 =	vsel vm2, v0, v1  }
0x2c: {  	v21 =	vld [tilespmem:s30+$0x50];
	v9 =	vsel vm3, v0, v1;
	v18 =	vsel vm4, v0, v1;
	v17 =	vsel vm6, v0, v1  }
0x2d: {  	s31 =	simm.s32 $0x400;
	v23 =	vld [tilespmem:s30+$0x60];
	v7 =	vsel vm0, v16, v15;
	v15 =	vsel vm1, v0, v1;
	v16 =	vsel vm5, v0, v1  }
.LBB2_2:
0x2e: {  	p0 =	sne.s32 s31, $0x1FE00;
	v24 =	vld [tilespmem:s30+$0x70];
	v1 =	vsel vm0, v0, v1  }
0x2f: {  	s30 =	sshra.s32 s31, $0x2;
	vm0 =	vlt.f32 v10, v11;
	vm1 =	vlt.f32 v19, v2;
	v0 =	vadd.s32 $0x1, v0  }
0x30: {  	v11 =	vsel vm0, v10, v11;
	v3 =	vsel vm0, v0, v3;
	v2 =	vsel vm1, v19, v2;
	v10 =	vld [tilespmem:s30+$0x0]  }
0x31: {  	vm2 =	vlt.f32 v12, v13;
	vm3 =	vlt.f32 v20, v4;
	vm4 =	vlt.f32 v22, v5;
	v19 =	vld [tilespmem:s30+$0x10]  }
.Ltmp0:
0x32: {  	v13 =	vsel vm2, v12, v13;
	v4 =	vsel vm3, v20, v4;
	v5 =	vsel vm4, v22, v5;
	v12 =	vld [tilespmem:s30+$0x20];
	(pc) =	sbr.rel @p0 .LBB2_2-.Ltmp0, $4  }
0x33: {  	vm5 =	vlt.f32 v21, v14;
	vm6 =	vlt.f32 v23, v6;
	v20 =	vld [tilespmem:s30+$0x30];
	vm0 =	vlt.f32 v24, v7  }
0x34: {  	v14 =	vsel vm5, v21, v14;
	v6 =	vsel vm6, v23, v6;
	v22 =	vld [tilespmem:s30+$0x40];
	v7 =	vsel vm0, v24, v7  }
0x35: {  	v15 =	vsel vm1, v0, v15;
	v8 =	vsel vm2, v0, v8;
	v9 =	vsel vm3, v0, v9;
	v21 =	vld [tilespmem:s30+$0x50]  }
0x36: {  	s31 =	sadd.s32 $0x200, s31;
	v18 =	vsel vm4, v0, v18;
	v16 =	vsel vm5, v0, v16;
	v17 =	vsel vm6, v0, v17;
	v23 =	vld [tilespmem:s30+$0x60]  }
0x37: {  	v24 =	vld [tilespmem:s30+$0x70];
	s30 =	simm.s32 $0x0  }
0x38: {  	[tilespmem:s30], [sflag:$0x1] =	stream.strided.gather [hbm4b:s5+s20], $0x8000, s21, s20, $0x38;
	[tilespmem:$0x10100] =	vst v63  }
0x39: {  	_ =	swait.ge [sflag:s24], $0x8000  }
0x3a: {  	[sflag:s24] =	ssyncset.done $0x0  }
0x3b: {  	s30 =	simm.s32 $0x0;
	[sflag:s24] =	ssyncadd.s32 $0xFFFF8000  }
0x3c: {  	v1 =	vsel vm0, v0, v1;
	vm1 =	vlt.f32 v19, v2;
	v25 =	vld [tilespmem:s30+$0x8000]  }
0x3d: {  	vm0 =	vlt.f32 v10, v11;
	v0 =	vadd.s32 $0x1, v0;
	v2 =	vsel vm1, v19, v2;
	v19 =	vld [tilespmem:s30+$0x8010]  }
0x3e: {  	v11 =	vsel vm0, v10, v11;
	v3 =	vsel vm0, v0, v3;
	vm2 =	vlt.f32 v20, v4;
	v26 =	vld [tilespmem:s30+$0x8020]  }
0x3f: {  	vm0 =	vlt.f32 v12, v13;
	v4 =	vsel vm2, v20, v4;
	vm4 =	vlt.f32 v21, v14;
	v20 =	vld [tilespmem:s30+$0x8030]  }
0x40: {  	v15 =	vsel vm1, v0, v15;
	vm5 =	vlt.f32 v23, v6;
	v14 =	vsel vm4, v21, v14;
	v21 =	vld [tilespmem:s30+$0x8040]  }
0x41: {  	vm3 =	vlt.f32 v22, v5;
	v13 =	vsel vm0, v12, v13;
	v6 =	vsel vm5, v23, v6;
	v23 =	vld [tilespmem:s30+$0x8050]  }
0x42: {  	v8 =	vsel vm0, v0, v8;
	v9 =	vsel vm2, v0, v9;
	v5 =	vsel vm3, v22, v5;
	v63 =	vld [tilespmem:s30+$0x8060]  }
0x43: {  	v18 =	vsel vm3, v0, v18;
	v16 =	vsel vm4, v0, v16;
	vm6 =	vlt.f32 v24, v7  }
0x44: {  	v17 =	vsel vm5, v0, v17;
	v27 =	vld [tilespmem:s30+$0x8070];
	v7 =	vsel vm6, v24, v7;
	v1 =	vsel vm6, v0, v1  }
0x45: {  	s30 =	simm.s32 $0x80;
	v0 =	vadd.s32 $0x1, v0;
	vm0 =	vlt.f32 v25, v11;
	vm1 =	vlt.f32 v19, v2  }
0x46: {  	v10 =	vld [tilespmem:s30+$0x8000];
	vm2 =	vlt.f32 v26, v13;
	vm3 =	vlt.f32 v20, v4;
	vm13 =	vlt.f32 v21, v5  }
0x47: {  	v12 =	vld [tilespmem:s30+$0x8020];
	vm14 =	vlt.f32 v23, v14;
	vm15 =	vlt.f32 v63, v6;
	v11 =	vsel vm0, v25, v11  }
0x48: {  	v22 =	vld [tilespmem:s30+$0x8040];
	v3 =	vsel vm0, v0, v3;
	v2 =	vsel vm1, v19, v2;
	v13 =	vsel vm2, v26, v13  }
0x49: {  	v19 =	vld [tilespmem:s30+$0x8010];
	v4 =	vsel vm3, v20, v4;
	v5 =	vsel vm13, v21, v5;
	vm0 =	vlt.f32 v27, v7  }
0x4a: {  	v20 =	vld [tilespmem:s30+$0x8030];
	v14 =	vsel vm14, v23, v14;
	v6 =	vsel vm15, v63, v6;
	v15 =	vsel vm1, v0, v15  }
0x4b: {  	v21 =	vld [tilespmem:s30+$0x8050];
	v8 =	vsel vm2, v0, v8;
	v9 =	vsel vm3, v0, v9;
	v18 =	vsel vm13, v0, v18  }
0x4c: {  	s31 =	simm.s32 $0x400;
	v23 =	vld [tilespmem:s30+$0x8060];
	v16 =	vsel vm14, v0, v16;
	v17 =	vsel vm15, v0, v17;
	v7 =	vsel vm0, v27, v7  }
.LBB2_4:
0x4d: {  	p0 =	sne.s32 s31, $0x1FE00;
	v24 =	vld [tilespmem:s30+$0x8070];
	v1 =	vsel vm0, v0, v1  }
0x4e: {  	s30 =	sshra.s32 s31, $0x2;
	vm0 =	vlt.f32 v10, v11;
	vm1 =	vlt.f32 v19, v2;
	v0 =	vadd.s32 $0x1, v0  }
0x4f: {  	v11 =	vsel vm0, v10, v11;
	v3 =	vsel vm0, v0, v3;
	v2 =	vsel vm1, v19, v2;
	v10 =	vld [tilespmem:s30+$0x8000]  }
0x50: {  	vm2 =	vlt.f32 v12, v13;
	vm3 =	vlt.f32 v20, v4;
	vm4 =	vlt.f32 v22, v5;
	v19 =	vld [tilespmem:s30+$0x8010]  }
.Ltmp1:
0x51: {  	v13 =	vsel vm2, v12, v13;
	v4 =	vsel vm3, v20, v4;
	v5 =	vsel vm4, v22, v5;
	v12 =	vld [tilespmem:s30+$0x8020];
	(pc) =	sbr.rel @p0 .LBB2_4-.Ltmp1, $4  }
0x52: {  	vm5 =	vlt.f32 v21, v14;
	vm6 =	vlt.f32 v23, v6;
	v20 =	vld [tilespmem:s30+$0x8030];
	vm0 =	vlt.f32 v24, v7  }
0x53: {  	v14 =	vsel vm5, v21, v14;
	v6 =	vsel vm6, v23, v6;
	v22 =	vld [tilespmem:s30+$0x8040];
	v7 =	vsel vm0, v24, v7  }
0x54: {  	v15 =	vsel vm1, v0, v15;
	v8 =	vsel vm2, v0, v8;
	v9 =	vsel vm3, v0, v9;
	v21 =	vld [tilespmem:s30+$0x8050]  }
0x55: {  	s31 =	sadd.s32 $0x200, s31;
	v18 =	vsel vm4, v0, v18;
	v16 =	vsel vm5, v0, v16;
	v17 =	vsel vm6, v0, v17;
	v23 =	vld [tilespmem:s30+$0x8060]  }
0x56: {  	v24 =	vld [tilespmem:s30+$0x8070];
	[tilespmem:s22], [sflag:$0x2] =	stream.strided.gather [hbm4b:s6+s20], $0x8000, s21, s20, $0x38  }
0x57: {  	_ =	swait.ge [sflag:s23], $0x8000  }
0x58: {  	[sflag:s23] =	ssyncset.done $0x0  }
0x59: {  	v1 =	vsel vm0, v0, v1;
	vm0 =	vlt.f32 v10, v11;
	s30 =	simm.s32 $0x0;
	[sflag:s23] =	ssyncadd.s32 $0xFFFF8000  }
0x5a: {  	vm1 =	vlt.f32 v19, v2;
	v0 =	vadd.s32 $0x1, v0;
	v11 =	vsel vm0, v10, v11;
	v25 =	vld [tilespmem:s30+$0x0]  }
0x5b: {  	v3 =	vsel vm0, v0, v3;
	v2 =	vsel vm1, v19, v2;
	vm0 =	vlt.f32 v12, v13;
	v19 =	vld [tilespmem:s30+$0x10]  }
0x5c: {  	vm2 =	vlt.f32 v20, v4;
	v15 =	vsel vm1, v0, v15;
	vm3 =	vlt.f32 v22, v5;
	v26 =	vld [tilespmem:s30+$0x20]  }
0x5d: {  	v13 =	vsel vm0, v12, v13;
	v4 =	vsel vm2, v20, v4;
	vm4 =	vlt.f32 v21, v14;
	v20 =	vld [tilespmem:s30+$0x30]  }
0x5e: {  	v8 =	vsel vm0, v0, v8;
	v9 =	vsel vm2, v0, v9;
	v14 =	vsel vm4, v21, v14;
	v21 =	vld [tilespmem:s30+$0x40]  }
0x5f: {  	v5 =	vsel vm3, v22, v5;
	v18 =	vsel vm3, v0, v18;
	vm5 =	vlt.f32 v23, v6;
	v63 =	vld [tilespmem:s30+$0x60]  }
0x60: {  	v16 =	vsel vm4, v0, v16;
	v27 =	vld [tilespmem:s30+$0x70];
	vm6 =	vlt.f32 v24, v7;
	v6 =	vsel vm5, v23, v6  }
0x61: {  	v23 =	vld [tilespmem:s30+$0x50];
	v17 =	vsel vm5, v0, v17;
	v7 =	vsel vm6, v24, v7;
	v1 =	vsel vm6, v0, v1  }
0x62: {  	s30 =	simm.s32 $0x80;
	v0 =	vadd.s32 $0x1, v0;
	vm0 =	vlt.f32 v25, v11;
	vm1 =	vlt.f32 v19, v2  }
0x63: {  	v10 =	vld [tilespmem:s30+$0x0];
	vm2 =	vlt.f32 v26, v13;
	vm3 =	vlt.f32 v20, v4;
	vm13 =	vlt.f32 v21, v5  }
0x64: {  	v12 =	vld [tilespmem:s30+$0x20];
	vm15 =	vlt.f32 v63, v6;
	v11 =	vsel vm0, v25, v11;
	v3 =	vsel vm0, v0, v3  }
0x65: {  	v22 =	vld [tilespmem:s30+$0x40];
	v2 =	vsel vm1, v19, v2;
	v13 =	vsel vm2, v26, v13;
	v4 =	vsel vm3, v20, v4  }
0x66: {  	v19 =	vld [tilespmem:s30+$0x10];
	v5 =	vsel vm13, v21, v5;
	vm14 =	vlt.f32 v23, v14;
	vm0 =	vlt.f32 v27, v7  }
0x67: {  	v20 =	vld [tilespmem:s30+$0x30];
	v6 =	vsel vm15, v63, v6;
	v15 =	vsel vm1, v0, v15;
	v8 =	vsel vm2, v0, v8  }
0x68: {  	v21 =	vld [tilespmem:s30+$0x50];
	v9 =	vsel vm3, v0, v9;
	v18 =	vsel vm13, v0, v18;
	v17 =	vsel vm15, v0, v17  }
0x69: {  	s31 =	simm.s32 $0x400;
	v14 =	vsel vm14, v23, v14;
	v7 =	vsel vm0, v27, v7;
	v23 =	vld [tilespmem:s30+$0x60];
	v16 =	vsel vm14, v0, v16  }
.LBB2_6:
0x6a: {  	p0 =	sne.s32 s31, $0x1FE00;
	v24 =	vld [tilespmem:s30+$0x70];
	v1 =	vsel vm0, v0, v1  }
0x6b: {  	s30 =	sshra.s32 s31, $0x2;
	vm0 =	vlt.f32 v10, v11;
	vm1 =	vlt.f32 v19, v2;
	v0 =	vadd.s32 $0x1, v0  }
0x6c: {  	v11 =	vsel vm0, v10, v11;
	v3 =	vsel vm0, v0, v3;
	v2 =	vsel vm1, v19, v2;
	v10 =	vld [tilespmem:s30+$0x0]  }
0x6d: {  	vm2 =	vlt.f32 v12, v13;
	vm3 =	vlt.f32 v20, v4;
	vm4 =	vlt.f32 v22, v5;
	v19 =	vld [tilespmem:s30+$0x10]  }
.Ltmp2:
0x6e: {  	v13 =	vsel vm2, v12, v13;
	v4 =	vsel vm3, v20, v4;
	v5 =	vsel vm4, v22, v5;
	v12 =	vld [tilespmem:s30+$0x20];
	(pc) =	sbr.rel @p0 .LBB2_6-.Ltmp2, $4  }
0x6f: {  	vm5 =	vlt.f32 v21, v14;
	vm6 =	vlt.f32 v23, v6;
	v20 =	vld [tilespmem:s30+$0x30];
	vm0 =	vlt.f32 v24, v7  }
0x70: {  	v14 =	vsel vm5, v21, v14;
	v6 =	vsel vm6, v23, v6;
	v22 =	vld [tilespmem:s30+$0x40];
	v7 =	vsel vm0, v24, v7  }
0x71: {  	v15 =	vsel vm1, v0, v15;
	v8 =	vsel vm2, v0, v8;
	v9 =	vsel vm3, v0, v9;
	v21 =	vld [tilespmem:s30+$0x50]  }
0x72: {  	s31 =	sadd.s32 $0x200, s31;
	v18 =	vsel vm4, v0, v18;
	v16 =	vsel vm5, v0, v16;
	v17 =	vsel vm6, v0, v17;
	v23 =	vld [tilespmem:s30+$0x60]  }
0x73: {  	v24 =	vld [tilespmem:s30+$0x70];
	s30 =	simm.s32 $0x0  }
0x74: {  	[tilespmem:s30], [sflag:$0x1] =	stream.strided.gather [hbm4b:s7+s20], $0x8000, s21, s20, $0x38;
	[tilespmem:$0x10100] =	vst v63  }
0x75: {  	_ =	swait.ge [sflag:s24], $0x8000  }
0x76: {  	[sflag:s24] =	ssyncset.done $0x0  }
0x77: {  	s30 =	simm.s32 $0x0;
	[sflag:s24] =	ssyncadd.s32 $0xFFFF8000  }
0x78: {  	v1 =	vsel vm0, v0, v1;
	vm1 =	vlt.f32 v19, v2;
	v25 =	vld [tilespmem:s30+$0x8000]  }
0x79: {  	vm0 =	vlt.f32 v10, v11;
	v0 =	vadd.s32 $0x1, v0;
	v2 =	vsel vm1, v19, v2;
	v19 =	vld [tilespmem:s30+$0x8010]  }
0x7a: {  	v11 =	vsel vm0, v10, v11;
	v3 =	vsel vm0, v0, v3;
	vm2 =	vlt.f32 v20, v4;
	v26 =	vld [tilespmem:s30+$0x8020]  }
0x7b: {  	vm0 =	vlt.f32 v12, v13;
	v4 =	vsel vm2, v20, v4;
	vm4 =	vlt.f32 v21, v14;
	v20 =	vld [tilespmem:s30+$0x8030]  }
0x7c: {  	v15 =	vsel vm1, v0, v15;
	vm5 =	vlt.f32 v23, v6;
	v14 =	vsel vm4, v21, v14;
	v21 =	vld [tilespmem:s30+$0x8040]  }
0x7d: {  	vm3 =	vlt.f32 v22, v5;
	v13 =	vsel vm0, v12, v13;
	v6 =	vsel vm5, v23, v6;
	v23 =	vld [tilespmem:s30+$0x8050]  }
0x7e: {  	v8 =	vsel vm0, v0, v8;
	v9 =	vsel vm2, v0, v9;
	v5 =	vsel vm3, v22, v5;
	v63 =	vld [tilespmem:s30+$0x8060]  }
0x7f: {  	v18 =	vsel vm3, v0, v18;
	v16 =	vsel vm4, v0, v16;
	vm6 =	vlt.f32 v24, v7  }
0x80: {  	v17 =	vsel vm5, v0, v17;
	v27 =	vld [tilespmem:s30+$0x8070];
	v7 =	vsel vm6, v24, v7;
	v1 =	vsel vm6, v0, v1  }
0x81: {  	s30 =	simm.s32 $0x80;
	v0 =	vadd.s32 $0x1, v0;
	vm0 =	vlt.f32 v25, v11;
	vm1 =	vlt.f32 v19, v2  }
0x82: {  	v10 =	vld [tilespmem:s30+$0x8000];
	vm2 =	vlt.f32 v26, v13;
	vm3 =	vlt.f32 v20, v4;
	vm13 =	vlt.f32 v21, v5  }
0x83: {  	v12 =	vld [tilespmem:s30+$0x8020];
	vm14 =	vlt.f32 v23, v14;
	vm15 =	vlt.f32 v63, v6;
	v11 =	vsel vm0, v25, v11  }
0x84: {  	v22 =	vld [tilespmem:s30+$0x8040];
	v3 =	vsel vm0, v0, v3;
	v2 =	vsel vm1, v19, v2;
	v13 =	vsel vm2, v26, v13  }
0x85: {  	v19 =	vld [tilespmem:s30+$0x8010];
	v4 =	vsel vm3, v20, v4;
	v5 =	vsel vm13, v21, v5;
	vm0 =	vlt.f32 v27, v7  }
0x86: {  	v20 =	vld [tilespmem:s30+$0x8030];
	v14 =	vsel vm14, v23, v14;
	v6 =	vsel vm15, v63, v6;
	v15 =	vsel vm1, v0, v15  }
0x87: {  	v21 =	vld [tilespmem:s30+$0x8050];
	v8 =	vsel vm2, v0, v8;
	v9 =	vsel vm3, v0, v9;
	v18 =	vsel vm13, v0, v18  }
0x88: {  	s31 =	simm.s32 $0x400;
	v23 =	vld [tilespmem:s30+$0x8060];
	v16 =	vsel vm14, v0, v16;
	v17 =	vsel vm15, v0, v17;
	v7 =	vsel vm0, v27, v7  }
.LBB2_8:
0x89: {  	p0 =	sne.s32 s31, $0x1FE00;
	v24 =	vld [tilespmem:s30+$0x8070];
	v1 =	vsel vm0, v0, v1  }
0x8a: {  	s30 =	sshra.s32 s31, $0x2;
	vm0 =	vlt.f32 v10, v11;
	vm1 =	vlt.f32 v19, v2;
	v0 =	vadd.s32 $0x1, v0  }
0x8b: {  	v11 =	vsel vm0, v10, v11;
	v3 =	vsel vm0, v0, v3;
	v2 =	vsel vm1, v19, v2;
	v10 =	vld [tilespmem:s30+$0x8000]  }
0x8c: {  	vm2 =	vlt.f32 v12, v13;
	vm3 =	vlt.f32 v20, v4;
	vm4 =	vlt.f32 v22, v5;
	v19 =	vld [tilespmem:s30+$0x8010]  }
.Ltmp3:
0x8d: {  	v13 =	vsel vm2, v12, v13;
	v4 =	vsel vm3, v20, v4;
	v5 =	vsel vm4, v22, v5;
	v12 =	vld [tilespmem:s30+$0x8020];
	(pc) =	sbr.rel @p0 .LBB2_8-.Ltmp3, $4  }
0x8e: {  	vm5 =	vlt.f32 v21, v14;
	vm6 =	vlt.f32 v23, v6;
	v20 =	vld [tilespmem:s30+$0x8030];
	vm0 =	vlt.f32 v24, v7  }
0x8f: {  	v14 =	vsel vm5, v21, v14;
	v6 =	vsel vm6, v23, v6;
	v22 =	vld [tilespmem:s30+$0x8040];
	v7 =	vsel vm0, v24, v7  }
0x90: {  	v15 =	vsel vm1, v0, v15;
	v8 =	vsel vm2, v0, v8;
	v9 =	vsel vm3, v0, v9;
	v21 =	vld [tilespmem:s30+$0x8050]  }
0x91: {  	s31 =	sadd.s32 $0x200, s31;
	v18 =	vsel vm4, v0, v18;
	v16 =	vsel vm5, v0, v16;
	v17 =	vsel vm6, v0, v17;
	v23 =	vld [tilespmem:s30+$0x8060]  }
0x92: {  	v24 =	vld [tilespmem:s30+$0x8070];
	[tilespmem:s22], [sflag:$0x2] =	stream.strided.gather [hbm4b:s8+s20], $0x8000, s21, s20, $0x38  }
0x93: {  	_ =	swait.ge [sflag:s23], $0x8000  }
0x94: {  	[sflag:s23] =	ssyncset.done $0x0  }
0x95: {  	v1 =	vsel vm0, v0, v1;
	vm0 =	vlt.f32 v10, v11;
	s30 =	simm.s32 $0x0;
	[sflag:s23] =	ssyncadd.s32 $0xFFFF8000  }
0x96: {  	vm1 =	vlt.f32 v19, v2;
	v0 =	vadd.s32 $0x1, v0;
	v11 =	vsel vm0, v10, v11;
	v25 =	vld [tilespmem:s30+$0x0]  }
0x97: {  	v3 =	vsel vm0, v0, v3;
	v2 =	vsel vm1, v19, v2;
	vm0 =	vlt.f32 v12, v13;
	v19 =	vld [tilespmem:s30+$0x10]  }
0x98: {  	vm2 =	vlt.f32 v20, v4;
	v15 =	vsel vm1, v0, v15;
	vm3 =	vlt.f32 v22, v5;
	v26 =	vld [tilespmem:s30+$0x20]  }
0x99: {  	v13 =	vsel vm0, v12, v13;
	v4 =	vsel vm2, v20, v4;
	vm4 =	vlt.f32 v21, v14;
	v20 =	vld [tilespmem:s30+$0x30]  }
0x9a: {  	v8 =	vsel vm0, v0, v8;
	v9 =	vsel vm2, v0, v9;
	v14 =	vsel vm4, v21, v14;
	v21 =	vld [tilespmem:s30+$0x40]  }
0x9b: {  	v5 =	vsel vm3, v22, v5;
	v18 =	vsel vm3, v0, v18;
	vm5 =	vlt.f32 v23, v6;
	v63 =	vld [tilespmem:s30+$0x60]  }
0x9c: {  	v16 =	vsel vm4, v0, v16;
	v27 =	vld [tilespmem:s30+$0x70];
	vm6 =	vlt.f32 v24, v7;
	v6 =	vsel vm5, v23, v6  }
0x9d: {  	v23 =	vld [tilespmem:s30+$0x50];
	v17 =	vsel vm5, v0, v17;
	v7 =	vsel vm6, v24, v7;
	v1 =	vsel vm6, v0, v1  }
0x9e: {  	s30 =	simm.s32 $0x80;
	v0 =	vadd.s32 $0x1, v0;
	vm0 =	vlt.f32 v25, v11;
	vm1 =	vlt.f32 v19, v2  }
0x9f: {  	v10 =	vld [tilespmem:s30+$0x0];
	vm2 =	vlt.f32 v26, v13;
	vm3 =	vlt.f32 v20, v4;
	vm13 =	vlt.f32 v21, v5  }
0xa0: {  	v12 =	vld [tilespmem:s30+$0x20];
	vm15 =	vlt.f32 v63, v6;
	v11 =	vsel vm0, v25, v11;
	v3 =	vsel vm0, v0, v3  }
0xa1: {  	v22 =	vld [tilespmem:s30+$0x40];
	v2 =	vsel vm1, v19, v2;
	v13 =	vsel vm2, v26, v13;
	v4 =	vsel vm3, v20, v4  }
0xa2: {  	v19 =	vld [tilespmem:s30+$0x10];
	v5 =	vsel vm13, v21, v5;
	vm14 =	vlt.f32 v23, v14;
	vm0 =	vlt.f32 v27, v7  }
0xa3: {  	v20 =	vld [tilespmem:s30+$0x30];
	v6 =	vsel vm15, v63, v6;
	v15 =	vsel vm1, v0, v15;
	v8 =	vsel vm2, v0, v8  }
0xa4: {  	v21 =	vld [tilespmem:s30+$0x50];
	v9 =	vsel vm3, v0, v9;
	v18 =	vsel vm13, v0, v18;
	v17 =	vsel vm15, v0, v17  }
0xa5: {  	s31 =	simm.s32 $0x400;
	v14 =	vsel vm14, v23, v14;
	v7 =	vsel vm0, v27, v7;
	v23 =	vld [tilespmem:s30+$0x60];
	v16 =	vsel vm14, v0, v16  }
.LBB2_10:
0xa6: {  	p0 =	sne.s32 s31, $0x1FE00;
	v24 =	vld [tilespmem:s30+$0x70];
	v1 =	vsel vm0, v0, v1  }
0xa7: {  	s30 =	sshra.s32 s31, $0x2;
	vm0 =	vlt.f32 v10, v11;
	vm1 =	vlt.f32 v19, v2;
	v0 =	vadd.s32 $0x1, v0  }
0xa8: {  	v11 =	vsel vm0, v10, v11;
	v3 =	vsel vm0, v0, v3;
	v2 =	vsel vm1, v19, v2;
	v10 =	vld [tilespmem:s30+$0x0]  }
0xa9: {  	vm2 =	vlt.f32 v12, v13;
	vm3 =	vlt.f32 v20, v4;
	vm4 =	vlt.f32 v22, v5;
	v19 =	vld [tilespmem:s30+$0x10]  }
.Ltmp4:
0xaa: {  	v13 =	vsel vm2, v12, v13;
	v4 =	vsel vm3, v20, v4;
	v5 =	vsel vm4, v22, v5;
	v12 =	vld [tilespmem:s30+$0x20];
	(pc) =	sbr.rel @p0 .LBB2_10-.Ltmp4, $4  }
0xab: {  	vm5 =	vlt.f32 v21, v14;
	vm6 =	vlt.f32 v23, v6;
	v20 =	vld [tilespmem:s30+$0x30];
	vm0 =	vlt.f32 v24, v7  }
0xac: {  	v14 =	vsel vm5, v21, v14;
	v6 =	vsel vm6, v23, v6;
	v22 =	vld [tilespmem:s30+$0x40];
	v7 =	vsel vm0, v24, v7  }
0xad: {  	v15 =	vsel vm1, v0, v15;
	v8 =	vsel vm2, v0, v8;
	v9 =	vsel vm3, v0, v9;
	v21 =	vld [tilespmem:s30+$0x50]  }
0xae: {  	s31 =	sadd.s32 $0x200, s31;
	v18 =	vsel vm4, v0, v18;
	v16 =	vsel vm5, v0, v16;
	v17 =	vsel vm6, v0, v17;
	v23 =	vld [tilespmem:s30+$0x60]  }
0xaf: {  	v24 =	vld [tilespmem:s30+$0x70];
	_ =	swait.ge [sflag:s24], $0x8000  }
0xb0: {  	[sflag:s24] =	ssyncset.done $0x0  }
0xb1: {  	v1 =	vsel vm0, v0, v1;
	vm0 =	vlt.f32 v10, v11;
	s30 =	simm.s32 $0x0;
	[sflag:s24] =	ssyncadd.s32 $0xFFFF8000  }
0xb2: {  	vm1 =	vlt.f32 v19, v2;
	v25 =	vadd.s32 $0x1, v0;
	v10 =	vsel vm0, v10, v11;
	v11 =	vld [tilespmem:s30+$0x8000]  }
0xb3: {  	v3 =	vsel vm0, v25, v3;
	v2 =	vsel vm1, v19, v2;
	vm0 =	vlt.f32 v12, v13;
	v19 =	vld [tilespmem:s30+$0x8010]  }
0xb4: {  	vm2 =	vlt.f32 v20, v4;
	vm3 =	vlt.f32 v22, v5;
	v12 =	vsel vm0, v12, v13;
	v26 =	vld [tilespmem:s30+$0x8020]  }
0xb5: {  	v4 =	vsel vm2, v20, v4;
	v27 =	vsel vm0, v25, v8;
	v28 =	vsel vm2, v25, v9;
	v20 =	vld [tilespmem:s30+$0x8030]  }
0xb6: {  	v5 =	vsel vm3, v22, v5;
	vm4 =	vlt.f32 v21, v14;
	v63 =	vld [tilespmem:s30+$0x8050];
	v29 =	vsel vm3, v25, v18  }
0xb7: {  	v18 =	vld [tilespmem:s30+$0x8060];
	vm5 =	vlt.f32 v23, v6;
	v21 =	vsel vm4, v21, v14;
	v30 =	vsel vm4, v25, v16  }
0xb8: {  	v14 =	vld [tilespmem:s30+$0x8040];
	vm6 =	vlt.f32 v24, v7;
	v22 =	vsel vm5, v23, v6;
	v23 =	vsel vm1, v25, v15  }
0xb9: {  	v32 =	vld [tilespmem:s30+$0x8070];
	v31 =	vsel vm5, v25, v17;
	v7 =	vsel vm6, v24, v7;
	v0 =	vsel vm6, v25, v1  }
0xba: {  	s30 =	simm.s32 $0x80;
	v1 =	vadd.s32 $0x1, v25;
	vm0 =	vlt.f32 v11, v10;
	vm1 =	vlt.f32 v19, v2  }
0xbb: {  	v15 =	vld [tilespmem:s30+$0x8000];
	vm2 =	vlt.f32 v26, v12;
	vm3 =	vlt.f32 v20, v4;
	vm14 =	vlt.f32 v63, v21  }
0xbc: {  	v17 =	vld [tilespmem:s30+$0x8010];
	vm15 =	vlt.f32 v18, v22;
	v16 =	vsel vm0, v11, v10;
	v13 =	vsel vm0, v1, v3  }
0xbd: {  	v9 =	vld [tilespmem:s30+$0x8020];
	v8 =	vsel vm1, v19, v2;
	vm13 =	vlt.f32 v14, v5;
	v10 =	vsel vm2, v26, v12  }
0xbe: {  	v6 =	vsel vm3, v20, v4;
	vm0 =	vlt.f32 v32, v7;
	v19 =	vld [tilespmem:s30+$0x8040];
	v3 =	vsel vm15, v18, v22  }
0xbf: {  	v11 =	vld [tilespmem:s30+$0x8050];
	v23 =	vsel vm1, v1, v23;
	v22 =	vsel vm2, v1, v27;
	v12 =	vsel vm14, v1, v30  }
0xc0: {  	v4 =	vsel vm13, v14, v5;
	v14 =	vld [tilespmem:s30+$0x8030];
	v5 =	vsel vm14, v63, v21;
	v2 =	vsel vm0, v32, v7  }
0xc1: {  	s31 =	simm.s32 $0x400;
	v18 =	vld [tilespmem:s30+$0x8060];
	v21 =	vsel vm3, v1, v28;
	v20 =	vsel vm13, v1, v29;
	v7 =	vsel vm15, v1, v31  }
.LBB2_12:
0xc2: {  	p0 =	sne.s32 s31, $0x1FE00;
	v24 =	vld [tilespmem:s30+$0x8070];
	v0 =	vsel vm0, v1, v0  }
0xc3: {  	s30 =	sshra.s32 s31, $0x2;
	vm0 =	vlt.f32 v15, v16;
	vm1 =	vlt.f32 v17, v8;
	v1 =	vadd.s32 $0x1, v1  }
0xc4: {  	v16 =	vsel vm0, v15, v16;
	v13 =	vsel vm0, v1, v13;
	v8 =	vsel vm1, v17, v8;
	v15 =	vld [tilespmem:s30+$0x8000]  }
0xc5: {  	vm2 =	vlt.f32 v9, v10;
	vm3 =	vlt.f32 v14, v6;
	vm4 =	vlt.f32 v19, v4;
	v17 =	vld [tilespmem:s30+$0x8010]  }
.Ltmp5:
0xc6: {  	v10 =	vsel vm2, v9, v10;
	v6 =	vsel vm3, v14, v6;
	v4 =	vsel vm4, v19, v4;
	v9 =	vld [tilespmem:s30+$0x8020];
	(pc) =	sbr.rel @p0 .LBB2_12-.Ltmp5, $4  }
0xc7: {  	vm5 =	vlt.f32 v11, v5;
	vm6 =	vlt.f32 v18, v3;
	v14 =	vld [tilespmem:s30+$0x8030];
	vm0 =	vlt.f32 v24, v2  }
0xc8: {  	v5 =	vsel vm5, v11, v5;
	v3 =	vsel vm6, v18, v3;
	v19 =	vld [tilespmem:s30+$0x8040];
	v2 =	vsel vm0, v24, v2  }
0xc9: {  	v23 =	vsel vm1, v1, v23;
	v22 =	vsel vm2, v1, v22;
	v21 =	vsel vm3, v1, v21;
	v11 =	vld [tilespmem:s30+$0x8050]  }
0xca: {  	s31 =	sadd.s32 $0x200, s31;
	v20 =	vsel vm4, v1, v20;
	v12 =	vsel vm5, v1, v12;
	v7 =	vsel vm6, v1, v7;
	v18 =	vld [tilespmem:s30+$0x8060]  }
0xcb: {  	vm1 =	vlt.f32 v15, v16  }
0xcc: {  	v15 =	vsel vm1, v15, v16;
	v16 =	vadd.s32 $0x1, v1  }
0xcd: {  	v24 =	vld [tilespmem:s30+$0x8070];
	v13 =	vsel vm1, v16, v13;
	vm1 =	vlt.f32 v17, v8;
	[tilespmem:$0x10000] =	vst v15  }
0xce: {  	v8 =	vsel vm1, v17, v8;
	[tilespmem:$0x10080] =	vst v13  }
0xcf: {  	vm2 =	vlt.f32 v9, v10;
	v13 =	vsel vm1, v16, v23;
	[tilespmem:$0x10010] =	vst v8  }
0xd0: {  	v8 =	vsel vm2, v9, v10;
	[tilespmem:$0x10090] =	vst v13  }
0xd1: {  	vm1 =	vlt.f32 v14, v6;
	v9 =	vsel vm2, v16, v22;
	[tilespmem:$0x10020] =	vst v8  }
0xd2: {  	v6 =	vsel vm1, v14, v6;
	[tilespmem:$0x100A0] =	vst v9  }
0xd3: {  	vm2 =	vlt.f32 v19, v4;
	v8 =	vsel vm1, v16, v21;
	[tilespmem:$0x10030] =	vst v6  }
0xd4: {  	v4 =	vsel vm2, v19, v4;
	[tilespmem:$0x100B0] =	vst v8  }
0xd5: {  	vm1 =	vlt.f32 v11, v5;
	v6 =	vsel vm2, v16, v20;
	[tilespmem:$0x10040] =	vst v4  }
0xd6: {  	v4 =	vsel vm1, v11, v5;
	[tilespmem:$0x100C0] =	vst v6  }
0xd7: {  	vm2 =	vlt.f32 v18, v3;
	v5 =	vsel vm1, v16, v12;
	[tilespmem:$0x10050] =	vst v4  }
0xd8: {  	v3 =	vsel vm2, v18, v3;
	[tilespmem:$0x100D0] =	vst v5  }
0xd9: {  	vm1 =	vlt.f32 v24, v2;
	v4 =	vsel vm2, v16, v7;
	[tilespmem:$0x10060] =	vst v3  }
0xda: {  	v0 =	vsel vm0, v1, v0;
	v1 =	vsel vm1, v24, v2;
	[tilespmem:$0x100E0] =	vst v4  }
0xdb: {  	v0 =	vsel vm1, v16, v0;
	[tilespmem:$0x10070] =	vst v1  }
0xdc: {  	s30 =	simm.s32 $0x0;
	[tilespmem:$0x100F0] =	vst v0  }
0xdd: {  	[hbm4b:s9+s30] =	stream.linear.scatter [tilespmem:s25], [sflag:$0x3], $0x80, $0x38;
	[tilespmem:$0x10100] =	vst v63  }
0xde: {  	_ =	swait.ge [sflag:s26], $0x80  }
0xdf: {  	[sflag:s26] =	ssyncset.done $0x0  }
0xe0: {  	[sflag:s26] =	ssyncadd.s32 $0xFFFFFF80  }
0xe1: {  	[hbm4b:s10+s30] =	stream.linear.scatter [tilespmem:s28], [sflag:$0x3], $0x80, $0x38;
	[tilespmem:$0x10100] =	vst v63  }
0xe2: {  	_ =	swait.ge [sflag:s26], $0x80  }
0xe3: {  	[sflag:s26] =	ssyncset.done $0x0  }
0xe4: {  	[sflag:s26] =	ssyncadd.s32 $0xFFFFFF80  }
0xe5: {  	[tilespmem:s30], [sflag:$0x1] =	stream.strided.gather [hbm4b:s11+s20], $0x8000, s21, s20, $0x38;
	[tilespmem:$0x10100] =	vst v63  }
0xe6: {  	_ = 	snop  }
0xe7: {  	[tilespmem:s22], [sflag:$0x2] =	stream.strided.gather [hbm4b:s12+s20], $0x8000, s21, s20, $0x38;
	[tilespmem:$0x10100] =	vst v63  }
0xe8: {  	_ =	swait.ge [sflag:s23], $0x8000  }
0xe9: {  	[sflag:s23] =	ssyncset.done $0x0  }
0xea: {  	s30 =	simm.s32 $0x0;
	[sflag:s23] =	ssyncadd.s32 $0xFFFF8000  }
0xeb: {  	v2 =	vld [tilespmem:s30+$0x0]  }
0xec: {  	v4 =	vld [tilespmem:s30+$0x10]  }
0xed: {  	v5 =	vld [tilespmem:s30+$0x20]  }
0xee: {  	v6 =	vld [tilespmem:s30+$0x30]  }
0xef: {  	v7 =	vld [tilespmem:s30+$0x40]  }
0xf0: {  	v8 =	vld [tilespmem:s30+$0x50]  }
0xf1: {  	v9 =	vld [tilespmem:s30+$0x60];
	_ =	sdelay $0x1  }
0xf2: {  	v15 =	vimm.f32 $+Inf;
	v1 =	vimm.s32 $0x0;
	v16 =	vld [tilespmem:s30+$0x70]  }
0xf3: {  	v0 =	vimm.s32 $0xA00;
	s30 =	simm.s32 $0x80;
	vm0 =	vlt.f32 v2, v15;
	vm1 =	vlt.f32 v4, v15  }
0xf4: {  	v10 =	vld [tilespmem:s30+$0x0];
	vm2 =	vlt.f32 v5, v15;
	vm3 =	vlt.f32 v6, v15;
	vm4 =	vlt.f32 v7, v15  }
0xf5: {  	v19 =	vld [tilespmem:s30+$0x10];
	vm5 =	vlt.f32 v8, v15;
	vm6 =	vlt.f32 v9, v15;
	v11 =	vsel vm0, v2, v15  }
0xf6: {  	v12 =	vld [tilespmem:s30+$0x20];
	v3 =	vsel vm0, v0, v1;
	v2 =	vsel vm1, v4, v15;
	v13 =	vsel vm2, v5, v15  }
0xf7: {  	v20 =	vld [tilespmem:s30+$0x30];
	v4 =	vsel vm3, v6, v15;
	v5 =	vsel vm4, v7, v15;
	vm0 =	vlt.f32 v16, v15  }
0xf8: {  	v22 =	vld [tilespmem:s30+$0x40];
	v14 =	vsel vm5, v8, v15;
	v6 =	vsel vm6, v9, v15;
	v8 =	vsel vm2, v0, v1  }
0xf9: {  	v21 =	vld [tilespmem:s30+$0x50];
	v9 =	vsel vm3, v0, v1;
	v18 =	vsel vm4, v0, v1;
	v17 =	vsel vm6, v0, v1  }
0xfa: {  	s31 =	simm.s32 $0x400;
	v23 =	vld [tilespmem:s30+$0x60];
	v7 =	vsel vm0, v16, v15;
	v15 =	vsel vm1, v0, v1;
	v16 =	vsel vm5, v0, v1  }
.LBB2_14:
0xfb: {  	p0 =	sne.s32 s31, $0x1FE00;
	v24 =	vld [tilespmem:s30+$0x70];
	v1 =	vsel vm0, v0, v1  }
0xfc: {  	s30 =	sshra.s32 s31, $0x2;
	vm0 =	vlt.f32 v10, v11;
	vm1 =	vlt.f32 v19, v2;
	v0 =	vadd.s32 $0x1, v0  }
0xfd: {  	v11 =	vsel vm0, v10, v11;
	v3 =	vsel vm0, v0, v3;
	v2 =	vsel vm1, v19, v2;
	v10 =	vld [tilespmem:s30+$0x0]  }
0xfe: {  	vm2 =	vlt.f32 v12, v13;
	vm3 =	vlt.f32 v20, v4;
	vm4 =	vlt.f32 v22, v5;
	v19 =	vld [tilespmem:s30+$0x10]  }
.Ltmp6:
0xff: {  	v13 =	vsel vm2, v12, v13;
	v4 =	vsel vm3, v20, v4;
	v5 =	vsel vm4, v22, v5;
	v12 =	vld [tilespmem:s30+$0x20];
	(pc) =	sbr.rel @p0 .LBB2_14-.Ltmp6, $4  }
0x100: {  	vm5 =	vlt.f32 v21, v14;
	vm6 =	vlt.f32 v23, v6;
	v20 =	vld [tilespmem:s30+$0x30];
	vm0 =	vlt.f32 v24, v7  }
0x101: {  	v14 =	vsel vm5, v21, v14;
	v6 =	vsel vm6, v23, v6;
	v22 =	vld [tilespmem:s30+$0x40];
	v7 =	vsel vm0, v24, v7  }
0x102: {  	v15 =	vsel vm1, v0, v15;
	v8 =	vsel vm2, v0, v8;
	v9 =	vsel vm3, v0, v9;
	v21 =	vld [tilespmem:s30+$0x50]  }
0x103: {  	s31 =	sadd.s32 $0x200, s31;
	v18 =	vsel vm4, v0, v18;
	v16 =	vsel vm5, v0, v16;
	v17 =	vsel vm6, v0, v17;
	v23 =	vld [tilespmem:s30+$0x60]  }
0x104: {  	v24 =	vld [tilespmem:s30+$0x70];
	s30 =	simm.s32 $0x0  }
0x105: {  	[tilespmem:s30], [sflag:$0x1] =	stream.strided.gather [hbm4b:s13+s20], $0x8000, s21, s20, $0x38;
	[tilespmem:$0x10100] =	vst v63  }
0x106: {  	_ =	swait.ge [sflag:s24], $0x8000  }
0x107: {  	[sflag:s24] =	ssyncset.done $0x0  }
0x108: {  	s30 =	simm.s32 $0x0;
	[sflag:s24] =	ssyncadd.s32 $0xFFFF8000  }
0x109: {  	v1 =	vsel vm0, v0, v1;
	vm1 =	vlt.f32 v19, v2;
	v25 =	vld [tilespmem:s30+$0x8000]  }
0x10a: {  	vm0 =	vlt.f32 v10, v11;
	v0 =	vadd.s32 $0x1, v0;
	v2 =	vsel vm1, v19, v2;
	v19 =	vld [tilespmem:s30+$0x8010]  }
0x10b: {  	v11 =	vsel vm0, v10, v11;
	v3 =	vsel vm0, v0, v3;
	vm2 =	vlt.f32 v20, v4;
	v26 =	vld [tilespmem:s30+$0x8020]  }
0x10c: {  	vm0 =	vlt.f32 v12, v13;
	v4 =	vsel vm2, v20, v4;
	vm4 =	vlt.f32 v21, v14;
	v20 =	vld [tilespmem:s30+$0x8030]  }
0x10d: {  	v15 =	vsel vm1, v0, v15;
	vm5 =	vlt.f32 v23, v6;
	v14 =	vsel vm4, v21, v14;
	v21 =	vld [tilespmem:s30+$0x8040]  }
0x10e: {  	vm3 =	vlt.f32 v22, v5;
	v13 =	vsel vm0, v12, v13;
	v6 =	vsel vm5, v23, v6;
	v23 =	vld [tilespmem:s30+$0x8050]  }
0x10f: {  	v8 =	vsel vm0, v0, v8;
	v9 =	vsel vm2, v0, v9;
	v5 =	vsel vm3, v22, v5;
	v63 =	vld [tilespmem:s30+$0x8060]  }
0x110: {  	v18 =	vsel vm3, v0, v18;
	v16 =	vsel vm4, v0, v16;
	vm6 =	vlt.f32 v24, v7  }
0x111: {  	v17 =	vsel vm5, v0, v17;
	v27 =	vld [tilespmem:s30+$0x8070];
	v7 =	vsel vm6, v24, v7;
	v1 =	vsel vm6, v0, v1  }
0x112: {  	s30 =	simm.s32 $0x80;
	v0 =	vadd.s32 $0x1, v0;
	vm0 =	vlt.f32 v25, v11;
	vm1 =	vlt.f32 v19, v2  }
0x113: {  	v10 =	vld [tilespmem:s30+$0x8000];
	vm2 =	vlt.f32 v26, v13;
	vm3 =	vlt.f32 v20, v4;
	vm13 =	vlt.f32 v21, v5  }
0x114: {  	v12 =	vld [tilespmem:s30+$0x8020];
	vm14 =	vlt.f32 v23, v14;
	vm15 =	vlt.f32 v63, v6;
	v11 =	vsel vm0, v25, v11  }
0x115: {  	v22 =	vld [tilespmem:s30+$0x8040];
	v3 =	vsel vm0, v0, v3;
	v2 =	vsel vm1, v19, v2;
	v13 =	vsel vm2, v26, v13  }
0x116: {  	v19 =	vld [tilespmem:s30+$0x8010];
	v4 =	vsel vm3, v20, v4;
	v5 =	vsel vm13, v21, v5;
	vm0 =	vlt.f32 v27, v7  }
0x117: {  	v20 =	vld [tilespmem:s30+$0x8030];
	v14 =	vsel vm14, v23, v14;
	v6 =	vsel vm15, v63, v6;
	v15 =	vsel vm1, v0, v15  }
0x118: {  	v21 =	vld [tilespmem:s30+$0x8050];
	v8 =	vsel vm2, v0, v8;
	v9 =	vsel vm3, v0, v9;
	v18 =	vsel vm13, v0, v18  }
0x119: {  	s31 =	simm.s32 $0x400;
	v23 =	vld [tilespmem:s30+$0x8060];
	v16 =	vsel vm14, v0, v16;
	v17 =	vsel vm15, v0, v17;
	v7 =	vsel vm0, v27, v7  }
.LBB2_16:
0x11a: {  	p0 =	sne.s32 s31, $0x1FE00;
	v24 =	vld [tilespmem:s30+$0x8070];
	v1 =	vsel vm0, v0, v1  }
0x11b: {  	s30 =	sshra.s32 s31, $0x2;
	vm0 =	vlt.f32 v10, v11;
	vm1 =	vlt.f32 v19, v2;
	v0 =	vadd.s32 $0x1, v0  }
0x11c: {  	v11 =	vsel vm0, v10, v11;
	v3 =	vsel vm0, v0, v3;
	v2 =	vsel vm1, v19, v2;
	v10 =	vld [tilespmem:s30+$0x8000]  }
0x11d: {  	vm2 =	vlt.f32 v12, v13;
	vm3 =	vlt.f32 v20, v4;
	vm4 =	vlt.f32 v22, v5;
	v19 =	vld [tilespmem:s30+$0x8010]  }
.Ltmp7:
0x11e: {  	v13 =	vsel vm2, v12, v13;
	v4 =	vsel vm3, v20, v4;
	v5 =	vsel vm4, v22, v5;
	v12 =	vld [tilespmem:s30+$0x8020];
	(pc) =	sbr.rel @p0 .LBB2_16-.Ltmp7, $4  }
0x11f: {  	vm5 =	vlt.f32 v21, v14;
	vm6 =	vlt.f32 v23, v6;
	v20 =	vld [tilespmem:s30+$0x8030];
	vm0 =	vlt.f32 v24, v7  }
0x120: {  	v14 =	vsel vm5, v21, v14;
	v6 =	vsel vm6, v23, v6;
	v22 =	vld [tilespmem:s30+$0x8040];
	v7 =	vsel vm0, v24, v7  }
0x121: {  	v15 =	vsel vm1, v0, v15;
	v8 =	vsel vm2, v0, v8;
	v9 =	vsel vm3, v0, v9;
	v21 =	vld [tilespmem:s30+$0x8050]  }
0x122: {  	s31 =	sadd.s32 $0x200, s31;
	v18 =	vsel vm4, v0, v18;
	v16 =	vsel vm5, v0, v16;
	v17 =	vsel vm6, v0, v17;
	v23 =	vld [tilespmem:s30+$0x8060]  }
0x123: {  	v24 =	vld [tilespmem:s30+$0x8070];
	[tilespmem:s22], [sflag:$0x2] =	stream.strided.gather [hbm4b:s14+s20], $0x8000, s21, s20, $0x38  }
0x124: {  	_ =	swait.ge [sflag:s23], $0x8000  }
0x125: {  	[sflag:s23] =	ssyncset.done $0x0  }
0x126: {  	v1 =	vsel vm0, v0, v1;
	vm0 =	vlt.f32 v10, v11;
	s30 =	simm.s32 $0x0;
	[sflag:s23] =	ssyncadd.s32 $0xFFFF8000  }
0x127: {  	vm1 =	vlt.f32 v19, v2;
	v0 =	vadd.s32 $0x1, v0;
	v11 =	vsel vm0, v10, v11;
	v25 =	vld [tilespmem:s30+$0x0]  }
0x128: {  	v3 =	vsel vm0, v0, v3;
	v2 =	vsel vm1, v19, v2;
	vm0 =	vlt.f32 v12, v13;
	v19 =	vld [tilespmem:s30+$0x10]  }
0x129: {  	vm2 =	vlt.f32 v20, v4;
	v15 =	vsel vm1, v0, v15;
	vm3 =	vlt.f32 v22, v5;
	v26 =	vld [tilespmem:s30+$0x20]  }
0x12a: {  	v13 =	vsel vm0, v12, v13;
	v4 =	vsel vm2, v20, v4;
	vm4 =	vlt.f32 v21, v14;
	v20 =	vld [tilespmem:s30+$0x30]  }
0x12b: {  	v8 =	vsel vm0, v0, v8;
	v9 =	vsel vm2, v0, v9;
	v14 =	vsel vm4, v21, v14;
	v21 =	vld [tilespmem:s30+$0x40]  }
0x12c: {  	v5 =	vsel vm3, v22, v5;
	v18 =	vsel vm3, v0, v18;
	vm5 =	vlt.f32 v23, v6;
	v63 =	vld [tilespmem:s30+$0x60]  }
0x12d: {  	v16 =	vsel vm4, v0, v16;
	v27 =	vld [tilespmem:s30+$0x70];
	vm6 =	vlt.f32 v24, v7;
	v6 =	vsel vm5, v23, v6  }
0x12e: {  	v23 =	vld [tilespmem:s30+$0x50];
	v17 =	vsel vm5, v0, v17;
	v7 =	vsel vm6, v24, v7;
	v1 =	vsel vm6, v0, v1  }
0x12f: {  	s30 =	simm.s32 $0x80;
	v0 =	vadd.s32 $0x1, v0;
	vm0 =	vlt.f32 v25, v11;
	vm1 =	vlt.f32 v19, v2  }
0x130: {  	v10 =	vld [tilespmem:s30+$0x0];
	vm2 =	vlt.f32 v26, v13;
	vm3 =	vlt.f32 v20, v4;
	vm13 =	vlt.f32 v21, v5  }
0x131: {  	v12 =	vld [tilespmem:s30+$0x20];
	vm15 =	vlt.f32 v63, v6;
	v11 =	vsel vm0, v25, v11;
	v3 =	vsel vm0, v0, v3  }
0x132: {  	v22 =	vld [tilespmem:s30+$0x40];
	v2 =	vsel vm1, v19, v2;
	v13 =	vsel vm2, v26, v13;
	v4 =	vsel vm3, v20, v4  }
0x133: {  	v19 =	vld [tilespmem:s30+$0x10];
	v5 =	vsel vm13, v21, v5;
	vm14 =	vlt.f32 v23, v14;
	vm0 =	vlt.f32 v27, v7  }
0x134: {  	v20 =	vld [tilespmem:s30+$0x30];
	v6 =	vsel vm15, v63, v6;
	v15 =	vsel vm1, v0, v15;
	v8 =	vsel vm2, v0, v8  }
0x135: {  	v21 =	vld [tilespmem:s30+$0x50];
	v9 =	vsel vm3, v0, v9;
	v18 =	vsel vm13, v0, v18;
	v17 =	vsel vm15, v0, v17  }
0x136: {  	s31 =	simm.s32 $0x400;
	v14 =	vsel vm14, v23, v14;
	v7 =	vsel vm0, v27, v7;
	v23 =	vld [tilespmem:s30+$0x60];
	v16 =	vsel vm14, v0, v16  }
.LBB2_18:
0x137: {  	p0 =	sne.s32 s31, $0x1FE00;
	v24 =	vld [tilespmem:s30+$0x70];
	v1 =	vsel vm0, v0, v1  }
0x138: {  	s30 =	sshra.s32 s31, $0x2;
	vm0 =	vlt.f32 v10, v11;
	vm1 =	vlt.f32 v19, v2;
	v0 =	vadd.s32 $0x1, v0  }
0x139: {  	v11 =	vsel vm0, v10, v11;
	v3 =	vsel vm0, v0, v3;
	v2 =	vsel vm1, v19, v2;
	v10 =	vld [tilespmem:s30+$0x0]  }
0x13a: {  	vm2 =	vlt.f32 v12, v13;
	vm3 =	vlt.f32 v20, v4;
	vm4 =	vlt.f32 v22, v5;
	v19 =	vld [tilespmem:s30+$0x10]  }
.Ltmp8:
0x13b: {  	v13 =	vsel vm2, v12, v13;
	v4 =	vsel vm3, v20, v4;
	v5 =	vsel vm4, v22, v5;
	v12 =	vld [tilespmem:s30+$0x20];
	(pc) =	sbr.rel @p0 .LBB2_18-.Ltmp8, $4  }
0x13c: {  	vm5 =	vlt.f32 v21, v14;
	vm6 =	vlt.f32 v23, v6;
	v20 =	vld [tilespmem:s30+$0x30];
	vm0 =	vlt.f32 v24, v7  }
0x13d: {  	v14 =	vsel vm5, v21, v14;
	v6 =	vsel vm6, v23, v6;
	v22 =	vld [tilespmem:s30+$0x40];
	v7 =	vsel vm0, v24, v7  }
0x13e: {  	v15 =	vsel vm1, v0, v15;
	v8 =	vsel vm2, v0, v8;
	v9 =	vsel vm3, v0, v9;
	v21 =	vld [tilespmem:s30+$0x50]  }
0x13f: {  	s31 =	sadd.s32 $0x200, s31;
	v18 =	vsel vm4, v0, v18;
	v16 =	vsel vm5, v0, v16;
	v17 =	vsel vm6, v0, v17;
	v23 =	vld [tilespmem:s30+$0x60]  }
0x140: {  	v24 =	vld [tilespmem:s30+$0x70];
	s30 =	simm.s32 $0x0  }
0x141: {  	[tilespmem:s30], [sflag:$0x1] =	stream.strided.gather [hbm4b:s15+s20], $0x8000, s21, s20, $0x38;
	[tilespmem:$0x10100] =	vst v63  }
0x142: {  	_ =	swait.ge [sflag:s24], $0x8000  }
0x143: {  	[sflag:s24] =	ssyncset.done $0x0  }
0x144: {  	s30 =	simm.s32 $0x0;
	[sflag:s24] =	ssyncadd.s32 $0xFFFF8000  }
0x145: {  	v1 =	vsel vm0, v0, v1;
	vm1 =	vlt.f32 v19, v2;
	v25 =	vld [tilespmem:s30+$0x8000]  }
0x146: {  	vm0 =	vlt.f32 v10, v11;
	v0 =	vadd.s32 $0x1, v0;
	v2 =	vsel vm1, v19, v2;
	v19 =	vld [tilespmem:s30+$0x8010]  }
0x147: {  	v11 =	vsel vm0, v10, v11;
	v3 =	vsel vm0, v0, v3;
	vm2 =	vlt.f32 v20, v4;
	v26 =	vld [tilespmem:s30+$0x8020]  }
0x148: {  	vm0 =	vlt.f32 v12, v13;
	v4 =	vsel vm2, v20, v4;
	vm4 =	vlt.f32 v21, v14;
	v20 =	vld [tilespmem:s30+$0x8030]  }
0x149: {  	v15 =	vsel vm1, v0, v15;
	vm5 =	vlt.f32 v23, v6;
	v14 =	vsel vm4, v21, v14;
	v21 =	vld [tilespmem:s30+$0x8040]  }
0x14a: {  	vm3 =	vlt.f32 v22, v5;
	v13 =	vsel vm0, v12, v13;
	v6 =	vsel vm5, v23, v6;
	v23 =	vld [tilespmem:s30+$0x8050]  }
0x14b: {  	v8 =	vsel vm0, v0, v8;
	v9 =	vsel vm2, v0, v9;
	v5 =	vsel vm3, v22, v5;
	v63 =	vld [tilespmem:s30+$0x8060]  }
0x14c: {  	v18 =	vsel vm3, v0, v18;
	v16 =	vsel vm4, v0, v16;
	vm6 =	vlt.f32 v24, v7  }
0x14d: {  	v17 =	vsel vm5, v0, v17;
	v27 =	vld [tilespmem:s30+$0x8070];
	v7 =	vsel vm6, v24, v7;
	v1 =	vsel vm6, v0, v1  }
0x14e: {  	s30 =	simm.s32 $0x80;
	v0 =	vadd.s32 $0x1, v0;
	vm0 =	vlt.f32 v25, v11;
	vm1 =	vlt.f32 v19, v2  }
0x14f: {  	v10 =	vld [tilespmem:s30+$0x8000];
	vm2 =	vlt.f32 v26, v13;
	vm3 =	vlt.f32 v20, v4;
	vm13 =	vlt.f32 v21, v5  }
0x150: {  	v12 =	vld [tilespmem:s30+$0x8020];
	vm14 =	vlt.f32 v23, v14;
	vm15 =	vlt.f32 v63, v6;
	v11 =	vsel vm0, v25, v11  }
0x151: {  	v22 =	vld [tilespmem:s30+$0x8040];
	v3 =	vsel vm0, v0, v3;
	v2 =	vsel vm1, v19, v2;
	v13 =	vsel vm2, v26, v13  }
0x152: {  	v19 =	vld [tilespmem:s30+$0x8010];
	v4 =	vsel vm3, v20, v4;
	v5 =	vsel vm13, v21, v5;
	vm0 =	vlt.f32 v27, v7  }
0x153: {  	v20 =	vld [tilespmem:s30+$0x8030];
	v14 =	vsel vm14, v23, v14;
	v6 =	vsel vm15, v63, v6;
	v15 =	vsel vm1, v0, v15  }
0x154: {  	v21 =	vld [tilespmem:s30+$0x8050];
	v8 =	vsel vm2, v0, v8;
	v9 =	vsel vm3, v0, v9;
	v18 =	vsel vm13, v0, v18  }
0x155: {  	s31 =	simm.s32 $0x400;
	v23 =	vld [tilespmem:s30+$0x8060];
	v16 =	vsel vm14, v0, v16;
	v17 =	vsel vm15, v0, v17;
	v7 =	vsel vm0, v27, v7  }
.LBB2_20:
0x156: {  	p0 =	sne.s32 s31, $0x1FE00;
	v24 =	vld [tilespmem:s30+$0x8070];
	v1 =	vsel vm0, v0, v1  }
0x157: {  	s30 =	sshra.s32 s31, $0x2;
	vm0 =	vlt.f32 v10, v11;
	vm1 =	vlt.f32 v19, v2;
	v0 =	vadd.s32 $0x1, v0  }
0x158: {  	v11 =	vsel vm0, v10, v11;
	v3 =	vsel vm0, v0, v3;
	v2 =	vsel vm1, v19, v2;
	v10 =	vld [tilespmem:s30+$0x8000]  }
0x159: {  	vm2 =	vlt.f32 v12, v13;
	vm3 =	vlt.f32 v20, v4;
	vm4 =	vlt.f32 v22, v5;
	v19 =	vld [tilespmem:s30+$0x8010]  }
.Ltmp9:
0x15a: {  	v13 =	vsel vm2, v12, v13;
	v4 =	vsel vm3, v20, v4;
	v5 =	vsel vm4, v22, v5;
	v12 =	vld [tilespmem:s30+$0x8020];
	(pc) =	sbr.rel @p0 .LBB2_20-.Ltmp9, $4  }
0x15b: {  	vm5 =	vlt.f32 v21, v14;
	vm6 =	vlt.f32 v23, v6;
	v20 =	vld [tilespmem:s30+$0x8030];
	vm0 =	vlt.f32 v24, v7  }
0x15c: {  	v14 =	vsel vm5, v21, v14;
	v6 =	vsel vm6, v23, v6;
	v22 =	vld [tilespmem:s30+$0x8040];
	v7 =	vsel vm0, v24, v7  }
0x15d: {  	v15 =	vsel vm1, v0, v15;
	v8 =	vsel vm2, v0, v8;
	v9 =	vsel vm3, v0, v9;
	v21 =	vld [tilespmem:s30+$0x8050]  }
0x15e: {  	s31 =	sadd.s32 $0x200, s31;
	v18 =	vsel vm4, v0, v18;
	v16 =	vsel vm5, v0, v16;
	v17 =	vsel vm6, v0, v17;
	v23 =	vld [tilespmem:s30+$0x8060]  }
0x15f: {  	v24 =	vld [tilespmem:s30+$0x8070];
	[tilespmem:s22], [sflag:$0x2] =	stream.strided.gather [hbm4b:s16+s20], $0x8000, s21, s20, $0x38  }
0x160: {  	_ =	swait.ge [sflag:s23], $0x8000  }
0x161: {  	[sflag:s23] =	ssyncset.done $0x0  }
0x162: {  	v1 =	vsel vm0, v0, v1;
	vm0 =	vlt.f32 v10, v11;
	s30 =	simm.s32 $0x0;
	[sflag:s23] =	ssyncadd.s32 $0xFFFF8000  }
0x163: {  	vm1 =	vlt.f32 v19, v2;
	v0 =	vadd.s32 $0x1, v0;
	v11 =	vsel vm0, v10, v11;
	v25 =	vld [tilespmem:s30+$0x0]  }
0x164: {  	v3 =	vsel vm0, v0, v3;
	v2 =	vsel vm1, v19, v2;
	vm0 =	vlt.f32 v12, v13;
	v19 =	vld [tilespmem:s30+$0x10]  }
0x165: {  	vm2 =	vlt.f32 v20, v4;
	v15 =	vsel vm1, v0, v15;
	vm3 =	vlt.f32 v22, v5;
	v26 =	vld [tilespmem:s30+$0x20]  }
0x166: {  	v13 =	vsel vm0, v12, v13;
	v4 =	vsel vm2, v20, v4;
	vm4 =	vlt.f32 v21, v14;
	v20 =	vld [tilespmem:s30+$0x30]  }
0x167: {  	v8 =	vsel vm0, v0, v8;
	v9 =	vsel vm2, v0, v9;
	v14 =	vsel vm4, v21, v14;
	v21 =	vld [tilespmem:s30+$0x40]  }
0x168: {  	v5 =	vsel vm3, v22, v5;
	v18 =	vsel vm3, v0, v18;
	vm5 =	vlt.f32 v23, v6;
	v63 =	vld [tilespmem:s30+$0x60]  }
0x169: {  	v16 =	vsel vm4, v0, v16;
	v27 =	vld [tilespmem:s30+$0x70];
	vm6 =	vlt.f32 v24, v7;
	v6 =	vsel vm5, v23, v6  }
0x16a: {  	v23 =	vld [tilespmem:s30+$0x50];
	v17 =	vsel vm5, v0, v17;
	v7 =	vsel vm6, v24, v7;
	v1 =	vsel vm6, v0, v1  }
0x16b: {  	s30 =	simm.s32 $0x80;
	v0 =	vadd.s32 $0x1, v0;
	vm0 =	vlt.f32 v25, v11;
	vm1 =	vlt.f32 v19, v2  }
0x16c: {  	v10 =	vld [tilespmem:s30+$0x0];
	vm2 =	vlt.f32 v26, v13;
	vm3 =	vlt.f32 v20, v4;
	vm13 =	vlt.f32 v21, v5  }
0x16d: {  	v12 =	vld [tilespmem:s30+$0x20];
	vm15 =	vlt.f32 v63, v6;
	v11 =	vsel vm0, v25, v11;
	v3 =	vsel vm0, v0, v3  }
0x16e: {  	v22 =	vld [tilespmem:s30+$0x40];
	v2 =	vsel vm1, v19, v2;
	v13 =	vsel vm2, v26, v13;
	v4 =	vsel vm3, v20, v4  }
0x16f: {  	v19 =	vld [tilespmem:s30+$0x10];
	v5 =	vsel vm13, v21, v5;
	vm14 =	vlt.f32 v23, v14;
	vm0 =	vlt.f32 v27, v7  }
0x170: {  	v20 =	vld [tilespmem:s30+$0x30];
	v6 =	vsel vm15, v63, v6;
	v15 =	vsel vm1, v0, v15;
	v8 =	vsel vm2, v0, v8  }
0x171: {  	v21 =	vld [tilespmem:s30+$0x50];
	v9 =	vsel vm3, v0, v9;
	v18 =	vsel vm13, v0, v18;
	v17 =	vsel vm15, v0, v17  }
0x172: {  	s31 =	simm.s32 $0x400;
	v14 =	vsel vm14, v23, v14;
	v7 =	vsel vm0, v27, v7;
	v23 =	vld [tilespmem:s30+$0x60];
	v16 =	vsel vm14, v0, v16  }
.LBB2_22:
0x173: {  	p0 =	sne.s32 s31, $0x1FE00;
	v24 =	vld [tilespmem:s30+$0x70];
	v1 =	vsel vm0, v0, v1  }
0x174: {  	s30 =	sshra.s32 s31, $0x2;
	vm0 =	vlt.f32 v10, v11;
	vm1 =	vlt.f32 v19, v2;
	v0 =	vadd.s32 $0x1, v0  }
0x175: {  	v11 =	vsel vm0, v10, v11;
	v3 =	vsel vm0, v0, v3;
	v2 =	vsel vm1, v19, v2;
	v10 =	vld [tilespmem:s30+$0x0]  }
0x176: {  	vm2 =	vlt.f32 v12, v13;
	vm3 =	vlt.f32 v20, v4;
	vm4 =	vlt.f32 v22, v5;
	v19 =	vld [tilespmem:s30+$0x10]  }
.Ltmp10:
0x177: {  	v13 =	vsel vm2, v12, v13;
	v4 =	vsel vm3, v20, v4;
	v5 =	vsel vm4, v22, v5;
	v12 =	vld [tilespmem:s30+$0x20];
	(pc) =	sbr.rel @p0 .LBB2_22-.Ltmp10, $4  }
0x178: {  	vm5 =	vlt.f32 v21, v14;
	vm6 =	vlt.f32 v23, v6;
	v20 =	vld [tilespmem:s30+$0x30];
	vm0 =	vlt.f32 v24, v7  }
0x179: {  	v14 =	vsel vm5, v21, v14;
	v6 =	vsel vm6, v23, v6;
	v22 =	vld [tilespmem:s30+$0x40];
	v7 =	vsel vm0, v24, v7  }
0x17a: {  	v15 =	vsel vm1, v0, v15;
	v8 =	vsel vm2, v0, v8;
	v9 =	vsel vm3, v0, v9;
	v21 =	vld [tilespmem:s30+$0x50]  }
0x17b: {  	s31 =	sadd.s32 $0x200, s31;
	v18 =	vsel vm4, v0, v18;
	v16 =	vsel vm5, v0, v16;
	v17 =	vsel vm6, v0, v17;
	v23 =	vld [tilespmem:s30+$0x60]  }
0x17c: {  	v24 =	vld [tilespmem:s30+$0x70];
	_ =	swait.ge [sflag:s24], $0x8000  }
0x17d: {  	[sflag:s24] =	ssyncset.done $0x0  }
0x17e: {  	v1 =	vsel vm0, v0, v1;
	vm0 =	vlt.f32 v10, v11;
	s30 =	simm.s32 $0x0;
	[sflag:s24] =	ssyncadd.s32 $0xFFFF8000  }
0x17f: {  	vm1 =	vlt.f32 v19, v2;
	v25 =	vadd.s32 $0x1, v0;
	v10 =	vsel vm0, v10, v11;
	v11 =	vld [tilespmem:s30+$0x8000]  }
0x180: {  	v3 =	vsel vm0, v25, v3;
	v2 =	vsel vm1, v19, v2;
	vm0 =	vlt.f32 v12, v13;
	v19 =	vld [tilespmem:s30+$0x8010]  }
0x181: {  	vm2 =	vlt.f32 v20, v4;
	vm3 =	vlt.f32 v22, v5;
	v12 =	vsel vm0, v12, v13;
	v26 =	vld [tilespmem:s30+$0x8020]  }
0x182: {  	v4 =	vsel vm2, v20, v4;
	v27 =	vsel vm0, v25, v8;
	v28 =	vsel vm2, v25, v9;
	v20 =	vld [tilespmem:s30+$0x8030]  }
0x183: {  	v5 =	vsel vm3, v22, v5;
	vm4 =	vlt.f32 v21, v14;
	v63 =	vld [tilespmem:s30+$0x8050];
	v29 =	vsel vm3, v25, v18  }
0x184: {  	v18 =	vld [tilespmem:s30+$0x8060];
	vm5 =	vlt.f32 v23, v6;
	v21 =	vsel vm4, v21, v14;
	v30 =	vsel vm4, v25, v16  }
0x185: {  	v14 =	vld [tilespmem:s30+$0x8040];
	vm6 =	vlt.f32 v24, v7;
	v22 =	vsel vm5, v23, v6;
	v23 =	vsel vm1, v25, v15  }
0x186: {  	v32 =	vld [tilespmem:s30+$0x8070];
	v31 =	vsel vm5, v25, v17;
	v7 =	vsel vm6, v24, v7;
	v0 =	vsel vm6, v25, v1  }
0x187: {  	s30 =	simm.s32 $0x80;
	v1 =	vadd.s32 $0x1, v25;
	vm0 =	vlt.f32 v11, v10;
	vm1 =	vlt.f32 v19, v2  }
0x188: {  	v15 =	vld [tilespmem:s30+$0x8000];
	vm2 =	vlt.f32 v26, v12;
	vm3 =	vlt.f32 v20, v4;
	vm14 =	vlt.f32 v63, v21  }
0x189: {  	v17 =	vld [tilespmem:s30+$0x8010];
	vm15 =	vlt.f32 v18, v22;
	v16 =	vsel vm0, v11, v10;
	v13 =	vsel vm0, v1, v3  }
0x18a: {  	v9 =	vld [tilespmem:s30+$0x8020];
	v8 =	vsel vm1, v19, v2;
	vm13 =	vlt.f32 v14, v5;
	v10 =	vsel vm2, v26, v12  }
0x18b: {  	v6 =	vsel vm3, v20, v4;
	vm0 =	vlt.f32 v32, v7;
	v19 =	vld [tilespmem:s30+$0x8040];
	v3 =	vsel vm15, v18, v22  }
0x18c: {  	v11 =	vld [tilespmem:s30+$0x8050];
	v23 =	vsel vm1, v1, v23;
	v22 =	vsel vm2, v1, v27;
	v12 =	vsel vm14, v1, v30  }
0x18d: {  	v4 =	vsel vm13, v14, v5;
	v14 =	vld [tilespmem:s30+$0x8030];
	v5 =	vsel vm14, v63, v21;
	v2 =	vsel vm0, v32, v7  }
0x18e: {  	s31 =	simm.s32 $0x400;
	v18 =	vld [tilespmem:s30+$0x8060];
	v21 =	vsel vm3, v1, v28;
	v20 =	vsel vm13, v1, v29;
	v7 =	vsel vm15, v1, v31  }
.LBB2_24:
0x18f: {  	p0 =	sne.s32 s31, $0x1FE00;
	v24 =	vld [tilespmem:s30+$0x8070];
	v0 =	vsel vm0, v1, v0  }
0x190: {  	s30 =	sshra.s32 s31, $0x2;
	vm0 =	vlt.f32 v15, v16;
	vm1 =	vlt.f32 v17, v8;
	v1 =	vadd.s32 $0x1, v1  }
0x191: {  	v16 =	vsel vm0, v15, v16;
	v13 =	vsel vm0, v1, v13;
	v8 =	vsel vm1, v17, v8;
	v15 =	vld [tilespmem:s30+$0x8000]  }
0x192: {  	vm2 =	vlt.f32 v9, v10;
	vm3 =	vlt.f32 v14, v6;
	vm4 =	vlt.f32 v19, v4;
	v17 =	vld [tilespmem:s30+$0x8010]  }
.Ltmp11:
0x193: {  	v10 =	vsel vm2, v9, v10;
	v6 =	vsel vm3, v14, v6;
	v4 =	vsel vm4, v19, v4;
	v9 =	vld [tilespmem:s30+$0x8020];
	(pc) =	sbr.rel @p0 .LBB2_24-.Ltmp11, $4  }
0x194: {  	vm5 =	vlt.f32 v11, v5;
	vm6 =	vlt.f32 v18, v3;
	v14 =	vld [tilespmem:s30+$0x8030];
	vm0 =	vlt.f32 v24, v2  }
0x195: {  	v5 =	vsel vm5, v11, v5;
	v3 =	vsel vm6, v18, v3;
	v19 =	vld [tilespmem:s30+$0x8040];
	v2 =	vsel vm0, v24, v2  }
0x196: {  	v23 =	vsel vm1, v1, v23;
	v22 =	vsel vm2, v1, v22;
	v21 =	vsel vm3, v1, v21;
	v11 =	vld [tilespmem:s30+$0x8050]  }
0x197: {  	s31 =	sadd.s32 $0x200, s31;
	v20 =	vsel vm4, v1, v20;
	v12 =	vsel vm5, v1, v12;
	v7 =	vsel vm6, v1, v7;
	v18 =	vld [tilespmem:s30+$0x8060]  }
0x198: {  	vm1 =	vlt.f32 v15, v16  }
0x199: {  	v54 =	vadd.s32 $0x1, v1;
	v15 =	vsel vm1, v15, v16  }
0x19a: {  	v24 =	vld [tilespmem:s30+$0x8070];
	vm10 =	vlt.f32 v17, v8;
	v13 =	vsel vm1, v54, v13;
	[tilespmem:$0x10000] =	vst v15  }
0x19b: {  	v8 =	vsel vm10, v17, v8;
	[tilespmem:$0x10080] =	vst v13  }
0x19c: {  	vm2 =	vlt.f32 v9, v10;
	v55 =	vsel vm10, v54, v23;
	[tilespmem:$0x10010] =	vst v8  }
0x19d: {  	v56 =	vsel vm2, v9, v10;
	[tilespmem:$0x10090] =	vst v55  }
0x19e: {  	vm11 =	vlt.f32 v14, v6;
	v57 =	vsel vm2, v54, v22;
	[tilespmem:$0x10020] =	vst v56  }
0x19f: {  	v6 =	vsel vm11, v14, v6;
	[tilespmem:$0x100A0] =	vst v57  }
0x1a0: {  	vm12 =	vlt.f32 v19, v4;
	v58 =	vsel vm11, v54, v21;
	[tilespmem:$0x10030] =	vst v6  }
0x1a1: {  	v4 =	vsel vm12, v19, v4;
	[tilespmem:$0x100B0] =	vst v58  }
0x1a2: {  	vm13 =	vlt.f32 v11, v5;
	v59 =	vsel vm12, v54, v20;
	[tilespmem:$0x10040] =	vst v4  }
0x1a3: {  	v60 =	vsel vm13, v11, v5;
	[tilespmem:$0x100C0] =	vst v59  }
0x1a4: {  	vm14 =	vlt.f32 v18, v3;
	v61 =	vsel vm13, v54, v12;
	[tilespmem:$0x10050] =	vst v60  }
0x1a5: {  	v3 =	vsel vm14, v18, v3;
	[tilespmem:$0x100D0] =	vst v61  }
0x1a6: {  	vm15 =	vlt.f32 v24, v2;
	v62 =	vsel vm14, v54, v7;
	[tilespmem:$0x10060] =	vst v3  }
0x1a7: {  	v0 =	vsel vm0, v1, v0;
	v63 =	vsel vm15, v24, v2;
	[tilespmem:$0x100E0] =	vst v62  }
0x1a8: {  	v0 =	vsel vm15, v54, v0;
	[tilespmem:$0x10070] =	vst v63  }
0x1a9: {  	[tilespmem:$0x100F0] =	vst v0  }
0x1aa: {  	[hbm4b:s17+s2] =	stream.linear.scatter [tilespmem:s25], [sflag:$0x3], $0x80, $0x38;
	[tilespmem:$0x10100] =	vst v63  }
0x1ab: {  	s29 =	sadd.s32 $0x1, s29;
	_ =	swait.ge [sflag:s26], $0x80  }
0x1ac: {  	p0 =	sne.s32 s29, s19;
	[sflag:s26] =	ssyncset.done $0x0  }
.Ltmp12:
0x1ad: {  	[sflag:s26] =	ssyncadd.s32 $0xFFFFFF80;
	(pc) =	sbr.rel @p0 .LBB2_1-.Ltmp12, $4  }
0x1ae: {  	[hbm4b:s18+s2] =	stream.linear.scatter [tilespmem:s28], [sflag:$0x3], $0x80, $0x38;
	[tilespmem:$0x10100] =	vst v63  }
0x1af: {  	_ =	swait.ge [sflag:s26], $0x80  }
0x1b0: {  	[sflag:s26] =	ssyncset.done $0x0  }
0x1b1: {  	[sflag:s26] =	ssyncadd.s32 $0xFFFFFF80  }
0x1b2: {  	_ =	sfence.sel $0x180000  }
0x1b3: {  	[bflag:$0x0] =	sbarrier.arrive $0xFFFF  }
0x1b4: {  	p0 =	sne.s32 s1, $0x0;
	_ =	strace $0x90000047  }
0x1b5: {  	s0 =	sadd.s32 @!p0 $0x100000, s0;
	[bflag:$0x2] =	sbarrier.arrive $0xFFFF  }
0x1b6: {  	[sflag:s0] =	ssyncadd.tile.s32 @!p0 $0x1;
	_ =	shalt  }
.Lfunc_end2:
_tile_overlayer_lowered:
.L_overlay_start_2:
0x1b7: {  	(tag) =	ssettag $0x2  }
0x1b8: {  	s0 =	rddreg [dreg:$0x0];
	s2 =	stileid.u32  }
0x1b9: {  	s1 =	rddreg [dreg:$0x1];
	p0 =	sne.s32 s2, $0x0  }
0x1ba: {  	s3 =	rddreg [dreg:$0x2];
	[bflag:$0x3] =	sbarrier.arrive $0xFFFF;
	s2 =	simm.s32 @!p0 $0x1C03  }
0x1bb: {  	[timem:s3], [sflag:s2] =	dma.local @!p0 [hbm:s0], s1  }
0x1bc: {  	s0 =	simm.s32 @!p0 $0x3  }
0x1bd: {  	_ =	swait.ge @!p0 [sflag:s0], s1  }
0x1be: {  	s1 =	ssub.s32 @!p0 $0x0, s1;
	[sflag:s0] =	ssyncset.done @!p0 $0x0  }
0x1bf: {  	[sflag:s0] =	ssyncadd.s32 @!p0 s1  }
0x1c0: {  	[bflag:$0x3] =	sbarrier.arrive $0xFFFF  }
0x1c1: {  	_ =	shalt  }

</sc_bundles>
